<compile_context>
chip_gen: v7x
topology: tpu7x:2x2x1
jax: 0.10.2.dev20260603
libtpu: 0.0.44.dev20260713+nightly
codegen_flags: <defaults>
</compile_context>

<pallas_src>
import functools

import jax
import jax.numpy as jnp
from jax import lax
from jax.experimental import pallas as pl
from jax.experimental.pallas import tpu as pltpu, tpu_sc as plsc

HIDDEN = 128
M_NODE = 128
RBLK = 64
NC, NS = 2, 16
NW = NC * NS
STARTS = (0, 32, 48, 56, 120)
PCHUNK = 128


def _sc_emb_sum(table, cate_sc, n_pairs):
    n_chunks = cate_sc.shape[1]
    per_w = n_chunks * PCHUNK
    mesh = plsc.VectorSubcoreMesh(core_axis_name="c", subcore_axis_name="s")

    @functools.partial(
        pl.kernel, mesh=mesh,
        out_type=jax.ShapeDtypeStruct((n_pairs, HIDDEN), jnp.float32),
        scratch_types=[
            pltpu.VMEM((5, PCHUNK), jnp.int32),
            pltpu.VMEM((5, PCHUNK), jnp.int32),
            pltpu.VMEM((PCHUNK,), jnp.int32),
            pltpu.VMEM((PCHUNK, HIDDEN), jnp.float32),
            pltpu.VMEM((PCHUNK, HIDDEN), jnp.float32),
            pltpu.VMEM_SHARED((NS * PCHUNK, HIDDEN), jnp.float32),
            pltpu.SemaphoreType.DMA,
            pltpu.SemaphoreType.DMA,
        ],
    )
    def k(table_hbm, cate_hbm, out_hbm, cate_v, idx_v, sidx_v, gbuf0, gbuf1,
          acc, gsem, ssem):
        gbufs = (gbuf0, gbuf1)
        cid = lax.axis_index("c")
        sid = lax.axis_index("s")
        wid = sid * NC + cid
        for c8 in range(PCHUNK // 16):
            sidx_v[pl.ds(c8 * 16, 16)] = (
                lax.iota(jnp.int32, 16) + (c8 * 16) + sid * PCHUNK)

        def chunk_body(ch, _):
            pltpu.sync_copy(cate_hbm.at[wid, ch], cate_v)
            for f in range(5):
                for c8 in range(PCHUNK // 16):
                    sl = pl.ds(c8 * 16, 16)
                    idx_v[f, sl] = cate_v[f, sl] + (STARTS[f] + 248 * wid)
            g = pltpu.async_copy(table_hbm.at[idx_v.at[0]], gbufs[0], gsem)
            for f in range(5):
                g.wait()
                if f < 4:
                    g = pltpu.async_copy(table_hbm.at[idx_v.at[f + 1]],
                                         gbufs[(f + 1) % 2], gsem)
                s = pltpu.async_copy(gbufs[f % 2], acc.at[sidx_v], ssem,
                                     add=(f > 0))
                s.wait()
            base = wid * per_w + ch * PCHUNK
            pltpu.sync_copy(acc.at[pl.ds(sid * PCHUNK, PCHUNK)],
                            out_hbm.at[pl.ds(base, PCHUNK)])
            return ()

        lax.fori_loop(0, n_chunks, chunk_body, ())

    return k(table, cate_sc)


def _tc_body(emb_ref, flt_ref, w_ref, pvec_ref, out_ref):
    i = pl.program_id(1)
    rblk = out_ref.shape[1]
    m = rblk * M_NODE
    f32 = jnp.float32

    wc = w_ref[...] - jnp.mean(w_ref[...], axis=1, keepdims=True)
    bc = pvec_ref[2] - jnp.mean(pvec_ref[2])

    ones_hh = jnp.ones((HIDDEN, HIDDEN), f32)

    emb = emb_ref[0].reshape(m, HIDDEN)
    mean_rep = jnp.dot(emb, ones_hh, preferred_element_type=f32) * (1.0 / HIDDEN)
    xc = emb - mean_rep
    vc = jnp.dot(xc * xc, ones_hh, preferred_element_type=f32)
    rc = lax.rsqrt(vc * (1.0 / HIDDEN) + 1e-5)
    cate_emb = xc * (rc * pvec_ref[0]) + pvec_ref[1]

    xf = flt_ref[0].reshape(m, 8).astype(f32)
    fc = jnp.dot(xf, wc, preferred_element_type=f32) + bc
    vf = jnp.dot(fc * fc, ones_hh, preferred_element_type=f32)
    rf = lax.rsqrt(vf * (1.0 / HIDDEN) + 1e-5)
    flt_emb = fc * (rf * pvec_ref[3]) + pvec_ref[4]

    val = (cate_emb + flt_emb).reshape(rblk, M_NODE, HIDDEN)

    ridx = lax.broadcasted_iota(jnp.int32, (rblk, M_NODE, 1), 0) + i * rblk
    cidx = lax.broadcasted_iota(jnp.int32, (rblk, M_NODE, 1), 1)
    border = (ridx == 0) | (cidx == 0)
    out_ref[0] = jnp.where(border, pvec_ref[5][None, None, :], val)


def kernel(structure_feat_cate, structure_feat_float, emb_table, ln_cate_g,
           ln_cate_b, W_float, b_float, ln_float_g, ln_float_b,
           virtual_edge_emb):
    B = structure_feat_cate.shape[0]
    n_pairs = B * M_NODE * M_NODE
    per_w = n_pairs // NW
    n_chunks = per_w // PCHUNK

    cate_pad = jnp.pad(structure_feat_cate, ((0, 0), (1, 0), (1, 0), (0, 0)))
    cf = cate_pad.transpose(3, 0, 1, 2).reshape(5, n_pairs)
    cate_sc = cf.reshape(5, NW, n_chunks, PCHUNK).transpose(1, 2, 0, 3)
    flt_pad = jnp.pad(structure_feat_float, ((0, 0), (1, 0), (1, 0), (0, 0)))

    pvec = jnp.stack([ln_cate_g, ln_cate_b, b_float, ln_float_g, ln_float_b,
                      virtual_edge_emb.reshape(HIDDEN)], axis=0)

    table_rep = jnp.broadcast_to(emb_table, (NW,) + emb_table.shape).reshape(
        NW * emb_table.shape[0], HIDDEN)
    emb_sum = _sc_emb_sum(table_rep, cate_sc, n_pairs)
    emb4 = emb_sum.reshape(B, M_NODE, M_NODE, HIDDEN)

    grid = (B, M_NODE // RBLK)
    out = pl.pallas_call(
        _tc_body,
        grid=grid,
        in_specs=[
            pl.BlockSpec((1, RBLK, M_NODE, HIDDEN), lambda b, i: (b, i, 0, 0)),
            pl.BlockSpec((1, RBLK, M_NODE, 8), lambda b, i: (b, i, 0, 0)),
            pl.BlockSpec((8, HIDDEN), lambda b, i: (0, 0)),
            pl.BlockSpec((6, HIDDEN), lambda b, i: (0, 0)),
        ],
        out_specs=pl.BlockSpec((1, RBLK, M_NODE, HIDDEN),
                               lambda b, i: (b, i, 0, 0)),
        out_shape=jax.ShapeDtypeStruct((B, M_NODE, M_NODE, HIDDEN),
                                       jnp.float32),
    )(emb4, flt_pad, W_float, pvec)
    return out

# --- scband reference (transcript-rebuilt; emitter-appended) ---
"""Pipeline reference for scband-structure-embedding-layer-44444321579188 (READ-ONLY COPY).

The authoritative reference and input builder live on the scoring server;
editing this copy changes nothing except your own understanding.
"""

import jax, jax.numpy as jnp
import numpy as np

NUM_UNIQ = [32, 16, 8, 64, 128]
HIDDEN = 128
N_FLOAT = 8
B = 8
N = 127


def _layer_norm(x, g, b):
    m = jnp.mean(x, axis=-1, keepdims=True)
    v = jnp.mean((x - m) ** 2, axis=-1, keepdims=True)
    return (x - m) / jnp.sqrt(v + 1e-5) * g + b


def setup_inputs(seed: int = 0) -> dict:
    key = jax.random.key(seed)
    ks = jax.random.split(key, 6)
    structure_feat_cate = jax.random.randint(ks[0], (B, N, N, len(NUM_UNIQ)), 0, 8)
    structure_feat_float = jax.random.normal(ks[1], (B, N, N, N_FLOAT), dtype=jnp.float32)
    total_emb = int(np.sum(NUM_UNIQ))
    emb_table = jax.random.normal(ks[2], (total_emb, HIDDEN), dtype=jnp.float32) * 0.05
    ln_cate_g = jnp.ones((HIDDEN,), dtype=jnp.float32)
    ln_cate_b = jnp.zeros((HIDDEN,), dtype=jnp.float32)
    W_float = jax.random.normal(ks[3], (N_FLOAT, HIDDEN), dtype=jnp.float32) * 0.05
    b_float = jnp.zeros((HIDDEN,), dtype=jnp.float32)
    ln_float_g = jnp.ones((HIDDEN,), dtype=jnp.float32)
    ln_float_b = jnp.zeros((HIDDEN,), dtype=jnp.float32)
    virtual_edge_emb = jax.random.normal(ks[4], (1, 1, HIDDEN), dtype=jnp.float32)
    return {
        'structure_feat_cate': structure_feat_cate,
        'structure_feat_float': structure_feat_float,
        'emb_table': emb_table,
        'ln_cate_g': ln_cate_g,
        'ln_cate_b': ln_cate_b,
        'W_float': W_float,
        'b_float': b_float,
        'ln_float_g': ln_float_g,
        'ln_float_b': ln_float_b,
        'virtual_edge_emb': virtual_edge_emb,
    }


def reference(structure_feat_cate, structure_feat_float, emb_table, ln_cate_g, ln_cate_b,
              W_float, b_float, ln_float_g, ln_float_b, virtual_edge_emb):
    num_uniq = jnp.asarray(NUM_UNIQ, dtype=structure_feat_cate.dtype)
    csum = jnp.cumsum(num_uniq)
    starts = jnp.concatenate([jnp.zeros((1,), dtype=structure_feat_cate.dtype), csum[:-1]])
    idx = structure_feat_cate + starts  # broadcast over last dim
    emb = jnp.take(emb_table, idx, axis=0).sum(axis=-2)  # [B,N,N,H]
    cate_emb = _layer_norm(emb, ln_cate_g, ln_cate_b)
    flt = structure_feat_float @ W_float + b_float
    flt_emb = _layer_norm(flt, ln_float_g, ln_float_b)
    batch = structure_feat_cate.shape[0]
    max_node = structure_feat_cate.shape[1] + 1
    hidden = jnp.zeros((batch, max_node, max_node, HIDDEN), dtype=jnp.float32)
    ve = jnp.broadcast_to(virtual_edge_emb, (batch, max_node, HIDDEN))
    hidden = hidden.at[:, 0, :, :].set(ve)
    hidden = hidden.at[:, :, 0, :].set(ve)
    hidden = hidden.at[:, 1:, 1:, :].set(cate_emb + flt_emb)
    return hidden

if __name__ == "__main__":
    import jax
    _d = setup_inputs()
    print(jax.jit(kernel)(*tuple(_d.values())))

</pallas_src>

<mosaic_0001>
#map = affine_map<(d0, d1) -> (0, 0)>
#map1 = affine_map<(d0, d1) -> (0, 0, 0, 0)>
module attributes {stable_mosaic.version = 14 : i64} {
  func.func @k(%arg0: i32, %arg1: i32, %arg2: memref<7936x128xf32, #tpu.memory_space<hbm>>, %arg3: memref<32x32x5x128xi32, #tpu.memory_space<hbm>>, %arg4: memref<131072x128xf32, #tpu.memory_space<hbm>>, %arg5: memref<5x128xi32, #tpu.memory_space<vmem>>, %arg6: memref<5x128xi32, #tpu.memory_space<vmem>>, %arg7: memref<128xi32, #tpu.memory_space<vmem>>, %arg8: memref<128x128xf32, #tpu.memory_space<vmem>>, %arg9: memref<128x128xf32, #tpu.memory_space<vmem>>, %arg10: memref<2048x128xf32, #tpu.memory_space<vmem_shared>>, %arg11: memref<!tpu.dma_semaphore, #tpu.memory_space<semaphore_mem>>, %arg12: memref<!tpu.dma_semaphore, #tpu.memory_space<semaphore_mem>>) attributes {dimension_semantics = [#tpu.dimension_semantics<core_parallel>, #tpu.dimension_semantics<subcore_parallel>], iteration_bounds = array<i64: 2, 16>, scalar_prefetch = 0 : i64, scratch_operands = 8 : i64, tpu.core_type = #tpu.core_type<sc_vector_subcore>, window_params = [{transform_indices = #map}, {transform_indices = #map1}, {transform_indices = #map}]} {
    %mul3A = arith.constant 2 : i32
    %mul3A_0 = arith.muli %arg1, %mul3A : i32
    %add3A = arith.addi %mul3A_0, %arg0 : i32
    %iota3A = tpu.iota {dimensions = array<i32: 0>} : vector<16xi32>
    %add3A_1 = arith.constant 0 : i32
    %add3A_2 = vector.broadcast %add3A_1 : i32 to vector<16xi32>
    %add3A_3 = arith.addi %iota3A, %add3A_2 : vector<16xi32>
    %mul3A_4 = arith.constant 128 : i32
    %mul3A_5 = arith.muli %arg1, %mul3A_4 : i32
    %add3A_6 = vector.broadcast %mul3A_5 : i32 to vector<16xi32>
    %add3A_7 = arith.addi %add3A_3, %add3A_6 : vector<16xi32>
    %swap3A = arith.constant 0 : index
    %swap3A_8 = tpu.vector_load %arg7[%swap3A] {strides = array<i32>} : memref<128xi32, #tpu.memory_space<vmem>>, vector<16xi32>,
    %swap3A_9 = vector.shape_cast %swap3A_8 : vector<16xi32> to vector<16xi32>
    %swap3A_10 = vector.shape_cast %add3A_7 : vector<16xi32> to vector<16xi32>
    tpu.vector_store %arg7[%swap3A], %swap3A_10 {strides = array<i32>} : memref<128xi32, #tpu.memory_space<vmem>>, vector<16xi32>,
    %iota3A_11 = tpu.iota {dimensions = array<i32: 0>} : vector<16xi32>
    %add3A_12 = arith.constant 16 : i32
    %add3A_13 = vector.broadcast %add3A_12 : i32 to vector<16xi32>
    %add3A_14 = arith.addi %iota3A_11, %add3A_13 : vector<16xi32>
    %mul3A_15 = arith.constant 128 : i32
    %mul3A_16 = arith.muli %arg1, %mul3A_15 : i32
    %add3A_17 = vector.broadcast %mul3A_16 : i32 to vector<16xi32>
    %add3A_18 = arith.addi %add3A_14, %add3A_17 : vector<16xi32>
    %swap3A_19 = arith.constant 16 : index
    %swap3A_20 = tpu.vector_load %arg7[%swap3A_19] {strides = array<i32>} : memref<128xi32, #tpu.memory_space<vmem>>, vector<16xi32>,
    %swap3A_21 = vector.shape_cast %swap3A_20 : vector<16xi32> to vector<16xi32>
    %swap3A_22 = vector.shape_cast %add3A_18 : vector<16xi32> to vector<16xi32>
    tpu.vector_store %arg7[%swap3A_19], %swap3A_22 {strides = array<i32>} : memref<128xi32, #tpu.memory_space<vmem>>, vector<16xi32>,
    %iota3A_23 = tpu.iota {dimensions = array<i32: 0>} : vector<16xi32>
    %add3A_24 = arith.constant 32 : i32
    %add3A_25 = vector.broadcast %add3A_24 : i32 to vector<16xi32>
    %add3A_26 = arith.addi %iota3A_23, %add3A_25 : vector<16xi32>
    %mul3A_27 = arith.constant 128 : i32
    %mul3A_28 = arith.muli %arg1, %mul3A_27 : i32
    %add3A_29 = vector.broadcast %mul3A_28 : i32 to vector<16xi32>
    %add3A_30 = arith.addi %add3A_26, %add3A_29 : vector<16xi32>
    %swap3A_31 = arith.constant 32 : index
    %swap3A_32 = tpu.vector_load %arg7[%swap3A_31] {strides = array<i32>} : memref<128xi32, #tpu.memory_space<vmem>>, vector<16xi32>,
    %swap3A_33 = vector.shape_cast %swap3A_32 : vector<16xi32> to vector<16xi32>
    %swap3A_34 = vector.shape_cast %add3A_30 : vector<16xi32> to vector<16xi32>
    tpu.vector_store %arg7[%swap3A_31], %swap3A_34 {strides = array<i32>} : memref<128xi32, #tpu.memory_space<vmem>>, vector<16xi32>,
    %iota3A_35 = tpu.iota {dimensions = array<i32: 0>} : vector<16xi32>
    %add3A_36 = arith.constant 48 : i32
    %add3A_37 = vector.broadcast %add3A_36 : i32 to vector<16xi32>
    %add3A_38 = arith.addi %iota3A_35, %add3A_37 : vector<16xi32>
    %mul3A_39 = arith.constant 128 : i32
    %mul3A_40 = arith.muli %arg1, %mul3A_39 : i32
    %add3A_41 = vector.broadcast %mul3A_40 : i32 to vector<16xi32>
    %add3A_42 = arith.addi %add3A_38, %add3A_41 : vector<16xi32>
    %swap3A_43 = arith.constant 48 : index
    %swap3A_44 = tpu.vector_load %arg7[%swap3A_43] {strides = array<i32>} : memref<128xi32, #tpu.memory_space<vmem>>, vector<16xi32>,
    %swap3A_45 = vector.shape_cast %swap3A_44 : vector<16xi32> to vector<16xi32>
    %swap3A_46 = vector.shape_cast %add3A_42 : vector<16xi32> to vector<16xi32>
    tpu.vector_store %arg7[%swap3A_43], %swap3A_46 {strides = array<i32>} : memref<128xi32, #tpu.memory_space<vmem>>, vector<16xi32>,
    %iota3A_47 = tpu.iota {dimensions = array<i32: 0>} : vector<16xi32>
    %add3A_48 = arith.constant 64 : i32
    %add3A_49 = vector.broadcast %add3A_48 : i32 to vector<16xi32>
    %add3A_50 = arith.addi %iota3A_47, %add3A_49 : vector<16xi32>
    %mul3A_51 = arith.constant 128 : i32
    %mul3A_52 = arith.muli %arg1, %mul3A_51 : i32
    %add3A_53 = vector.broadcast %mul3A_52 : i32 to vector<16xi32>
    %add3A_54 = arith.addi %add3A_50, %add3A_53 : vector<16xi32>
    %swap3A_55 = arith.constant 64 : index
    %swap3A_56 = tpu.vector_load %arg7[%swap3A_55] {strides = array<i32>} : memref<128xi32, #tpu.memory_space<vmem>>, vector<16xi32>,
    %swap3A_57 = vector.shape_cast %swap3A_56 : vector<16xi32> to vector<16xi32>
    %swap3A_58 = vector.shape_cast %add3A_54 : vector<16xi32> to vector<16xi32>
    tpu.vector_store %arg7[%swap3A_55], %swap3A_58 {strides = array<i32>} : memref<128xi32, #tpu.memory_space<vmem>>, vector<16xi32>,
    %iota3A_59 = tpu.iota {dimensions = array<i32: 0>} : vector<16xi32>
    %add3A_60 = arith.constant 80 : i32
    %add3A_61 = vector.broadcast %add3A_60 : i32 to vector<16xi32>
    %add3A_62 = arith.addi %iota3A_59, %add3A_61 : vector<16xi32>
    %mul3A_63 = arith.constant 128 : i32
    %mul3A_64 = arith.muli %arg1, %mul3A_63 : i32
    %add3A_65 = vector.broadcast %mul3A_64 : i32 to vector<16xi32>
    %add3A_66 = arith.addi %add3A_62, %add3A_65 : vector<16xi32>
    %swap3A_67 = arith.constant 80 : index
    %swap3A_68 = tpu.vector_load %arg7[%swap3A_67] {strides = array<i32>} : memref<128xi32, #tpu.memory_space<vmem>>, vector<16xi32>,
    %swap3A_69 = vector.shape_cast %swap3A_68 : vector<16xi32> to vector<16xi32>
    %swap3A_70 = vector.shape_cast %add3A_66 : vector<16xi32> to vector<16xi32>
    tpu.vector_store %arg7[%swap3A_67], %swap3A_70 {strides = array<i32>} : memref<128xi32, #tpu.memory_space<vmem>>, vector<16xi32>,
    %iota3A_71 = tpu.iota {dimensions = array<i32: 0>} : vector<16xi32>
    %add3A_72 = arith.constant 96 : i32
    %add3A_73 = vector.broadcast %add3A_72 : i32 to vector<16xi32>
    %add3A_74 = arith.addi %iota3A_71, %add3A_73 : vector<16xi32>
    %mul3A_75 = arith.constant 128 : i32
    %mul3A_76 = arith.muli %arg1, %mul3A_75 : i32
    %add3A_77 = vector.broadcast %mul3A_76 : i32 to vector<16xi32>
    %add3A_78 = arith.addi %add3A_74, %add3A_77 : vector<16xi32>
    %swap3A_79 = arith.constant 96 : index
    %swap3A_80 = tpu.vector_load %arg7[%swap3A_79] {strides = array<i32>} : memref<128xi32, #tpu.memory_space<vmem>>, vector<16xi32>,
    %swap3A_81 = vector.shape_cast %swap3A_80 : vector<16xi32> to vector<16xi32>
    %swap3A_82 = vector.shape_cast %add3A_78 : vector<16xi32> to vector<16xi32>
    tpu.vector_store %arg7[%swap3A_79], %swap3A_82 {strides = array<i32>} : memref<128xi32, #tpu.memory_space<vmem>>, vector<16xi32>,
    %iota3A_83 = tpu.iota {dimensions = array<i32: 0>} : vector<16xi32>
    %add3A_84 = arith.constant 112 : i32
    %add3A_85 = vector.broadcast %add3A_84 : i32 to vector<16xi32>
    %add3A_86 = arith.addi %iota3A_83, %add3A_85 : vector<16xi32>
    %mul3A_87 = arith.constant 128 : i32
    %mul3A_88 = arith.muli %arg1, %mul3A_87 : i32
    %add3A_89 = vector.broadcast %mul3A_88 : i32 to vector<16xi32>
    %add3A_90 = arith.addi %add3A_86, %add3A_89 : vector<16xi32>
    %swap3A_91 = arith.constant 112 : index
    %swap3A_92 = tpu.vector_load %arg7[%swap3A_91] {strides = array<i32>} : memref<128xi32, #tpu.memory_space<vmem>>, vector<16xi32>,
    %swap3A_93 = vector.shape_cast %swap3A_92 : vector<16xi32> to vector<16xi32>
    %swap3A_94 = vector.shape_cast %add3A_90 : vector<16xi32> to vector<16xi32>
    tpu.vector_store %arg7[%swap3A_91], %swap3A_94 {strides = array<i32>} : memref<128xi32, #tpu.memory_space<vmem>>, vector<16xi32>,
    %scan3A = arith.constant 0 : i32
    %scan3A_95 = arith.constant 32 : i32
    %scan3A_96 = arith.addi %scan3A, %scan3A_95 : i32
    %scan3A_97 = arith.constant 1 : i32
    scf.for %scan3A_99 = %scan3A to %scan3A_96 step %scan3A_97  : i32 {
      "tpu.region"() ({
        %run_scoped3A = tpu.sem_alloc : memref<!tpu.dma_semaphore, #tpu.memory_space<semaphore_mem>>
        %dma_start3A_884 = arith.constant 0 : i32
        %dma_start3A_885 = arith.constant 0 : i32
        %dma_start3A_886 = tpu.memref_slice %arg3[%add3A, %scan3A_99, %dma_start3A_884, %dma_start3A_885] : memref<32x32x5x128xi32, #tpu.memory_space<hbm>> -> memref<1x1x5x128xi32, #tpu.memory_space<hbm>>
        %dma_start3A_887 = tpu.memref_squeeze %dma_start3A_886 : memref<1x1x5x128xi32, #tpu.memory_space<hbm>> -> memref<5x128xi32, #tpu.memory_space<hbm>>
        %dma_start3A_888 = arith.constant 0 : i32
        %dma_start3A_889 = arith.constant 0 : i32
        %dma_start3A_890 = tpu.memref_slice %arg3[%add3A, %scan3A_99, %dma_start3A_888, %dma_start3A_889] : memref<32x32x5x128xi32, #tpu.memory_space<hbm>> -> memref<1x1x5x128xi32, #tpu.memory_space<hbm>>
        %dma_start3A_891 = tpu.memref_squeeze %dma_start3A_890 : memref<1x1x5x128xi32, #tpu.memory_space<hbm>> -> memref<5x128xi32, #tpu.memory_space<hbm>>
        tpu.enqueue_dma source(%dma_start3A_891 : memref<5x128xi32, #tpu.memory_space<hbm>>) target(%arg5 : memref<5x128xi32, #tpu.memory_space<vmem>>) target_semaphore(%run_scoped3A : memref<!tpu.dma_semaphore, #tpu.memory_space<semaphore_mem>>)
        %dma_wait3A_892 = arith.constant 0 : i32
        %dma_wait3A_893 = arith.constant 0 : i32
        %dma_wait3A_894 = tpu.memref_slice %arg3[%add3A, %scan3A_99, %dma_wait3A_892, %dma_wait3A_893] : memref<32x32x5x128xi32, #tpu.memory_space<hbm>> -> memref<1x1x5x128xi32, #tpu.memory_space<hbm>>
        %dma_wait3A_895 = tpu.memref_squeeze %dma_wait3A_894 : memref<1x1x5x128xi32, #tpu.memory_space<hbm>> -> memref<5x128xi32, #tpu.memory_space<hbm>>
        %dma_wait3A_896 = arith.constant 0 : i32
        %dma_wait3A_897 = arith.constant 0 : i32
        %dma_wait3A_898 = tpu.memref_slice %arg3[%add3A, %scan3A_99, %dma_wait3A_896, %dma_wait3A_897] : memref<32x32x5x128xi32, #tpu.memory_space<hbm>> -> memref<1x1x5x128xi32, #tpu.memory_space<hbm>>
        %dma_wait3A_899 = tpu.memref_squeeze %dma_wait3A_898 : memref<1x1x5x128xi32, #tpu.memory_space<hbm>> -> memref<5x128xi32, #tpu.memory_space<hbm>>
        tpu.wait_dma2 semaphore(%run_scoped3A : memref<!tpu.dma_semaphore, #tpu.memory_space<semaphore_mem>>) src(%dma_wait3A_899 : memref<5x128xi32, #tpu.memory_space<hbm>>) dst(%arg5 : memref<5x128xi32, #tpu.memory_space<vmem>>)
        tpu.yield
      }) : () -> ()
      %get3A = arith.constant 0 : i32
      %get3A_100 = arith.index_cast %get3A : i32 to index
      %get3A_101 = arith.constant 0 : index
      %get3A_102 = tpu.vector_load %arg5[%get3A_100, %get3A_101] {strides = array<i32>} : memref<5x128xi32, #tpu.memory_space<vmem>>, vector<1x16xi32>,
      %get3A_103 = vector.shape_cast %get3A_102 : vector<1x16xi32> to vector<16xi32>
      %mul3A_104 = arith.constant 248 : i32
      %mul3A_105 = arith.muli %mul3A_104, %add3A : i32
      %add3A_106 = arith.constant 0 : i32
      %add3A_107 = arith.addi %add3A_106, %mul3A_105 : i32
      %add3A_108 = vector.broadcast %add3A_107 : i32 to vector<16xi32>
      %add3A_109 = arith.addi %get3A_103, %add3A_108 : vector<16xi32>
      %swap3A_110 = arith.constant 0 : i32
      %swap3A_111 = arith.index_cast %swap3A_110 : i32 to index
      %swap3A_112 = arith.constant 0 : index
      %swap3A_113 = tpu.vector_load %arg6[%swap3A_111, %swap3A_112] {strides = array<i32>} : memref<5x128xi32, #tpu.memory_space<vmem>>, vector<1x16xi32>,
      %swap3A_114 = vector.shape_cast %swap3A_113 : vector<1x16xi32> to vector<16xi32>
      %swap3A_115 = vector.shape_cast %add3A_109 : vector<16xi32> to vector<1x16xi32>
      tpu.vector_store %arg6[%swap3A_111, %swap3A_112], %swap3A_115 {strides = array<i32>} : memref<5x128xi32, #tpu.memory_space<vmem>>, vector<1x16xi32>,
      %get3A_116 = arith.constant 0 : i32
      %get3A_117 = arith.index_cast %get3A_116 : i32 to index
      %get3A_118 = arith.constant 16 : index
      %get3A_119 = tpu.vector_load %arg5[%get3A_117, %get3A_118] {strides = array<i32>} : memref<5x128xi32, #tpu.memory_space<vmem>>, vector<1x16xi32>,
      %get3A_120 = vector.shape_cast %get3A_119 : vector<1x16xi32> to vector<16xi32>
      %mul3A_121 = arith.constant 248 : i32
      %mul3A_122 = arith.muli %mul3A_121, %add3A : i32
      %add3A_123 = arith.constant 0 : i32
      %add3A_124 = arith.addi %add3A_123, %mul3A_122 : i32
      %add3A_125 = vector.broadcast %add3A_124 : i32 to vector<16xi32>
      %add3A_126 = arith.addi %get3A_120, %add3A_125 : vector<16xi32>
      %swap3A_127 = arith.constant 0 : i32
      %swap3A_128 = arith.index_cast %swap3A_127 : i32 to index
      %swap3A_129 = arith.constant 16 : index
      %swap3A_130 = tpu.vector_load %arg6[%swap3A_128, %swap3A_129] {strides = array<i32>} : memref<5x128xi32, #tpu.memory_space<vmem>>, vector<1x16xi32>,
      %swap3A_131 = vector.shape_cast %swap3A_130 : vector<1x16xi32> to vector<16xi32>
      %swap3A_132 = vector.shape_cast %add3A_126 : vector<16xi32> to vector<1x16xi32>
      tpu.vector_store %arg6[%swap3A_128, %swap3A_129], %swap3A_132 {strides = array<i32>} : memref<5x128xi32, #tpu.memory_space<vmem>>, vector<1x16xi32>,
      %get3A_133 = arith.constant 0 : i32
      %get3A_134 = arith.index_cast %get3A_133 : i32 to index
      %get3A_135 = arith.constant 32 : index
      %get3A_136 = tpu.vector_load %arg5[%get3A_134, %get3A_135] {strides = array<i32>} : memref<5x128xi32, #tpu.memory_space<vmem>>, vector<1x16xi32>,
      %get3A_137 = vector.shape_cast %get3A_136 : vector<1x16xi32> to vector<16xi32>
      %mul3A_138 = arith.constant 248 : i32
      %mul3A_139 = arith.muli %mul3A_138, %add3A : i32
      %add3A_140 = arith.constant 0 : i32
      %add3A_141 = arith.addi %add3A_140, %mul3A_139 : i32
      %add3A_142 = vector.broadcast %add3A_141 : i32 to vector<16xi32>
      %add3A_143 = arith.addi %get3A_137, %add3A_142 : vector<16xi32>
      %swap3A_144 = arith.constant 0 : i32
      %swap3A_145 = arith.index_cast %swap3A_144 : i32 to index
      %swap3A_146 = arith.constant 32 : index
      %swap3A_147 = tpu.vector_load %arg6[%swap3A_145, %swap3A_146] {strides = array<i32>} : memref<5x128xi32, #tpu.memory_space<vmem>>, vector<1x16xi32>,
      %swap3A_148 = vector.shape_cast %swap3A_147 : vector<1x16xi32> to vector<16xi32>
      %swap3A_149 = vector.shape_cast %add3A_143 : vector<16xi32> to vector<1x16xi32>
      tpu.vector_store %arg6[%swap3A_145, %swap3A_146], %swap3A_149 {strides = array<i32>} : memref<5x128xi32, #tpu.memory_space<vmem>>, vector<1x16xi32>,
      %get3A_150 = arith.constant 0 : i32
      %get3A_151 = arith.index_cast %get3A_150 : i32 to index
      %get3A_152 = arith.constant 48 : index
      %get3A_153 = tpu.vector_load %arg5[%get3A_151, %get3A_152] {strides = array<i32>} : memref<5x128xi32, #tpu.memory_space<vmem>>, vector<1x16xi32>,
      %get3A_154 = vector.shape_cast %get3A_153 : vector<1x16xi32> to vector<16xi32>
      %mul3A_155 = arith.constant 248 : i32
      %mul3A_156 = arith.muli %mul3A_155, %add3A : i32
      %add3A_157 = arith.constant 0 : i32
      %add3A_158 = arith.addi %add3A_157, %mul3A_156 : i32
      %add3A_159 = vector.broadcast %add3A_158 : i32 to vector<16xi32>
      %add3A_160 = arith.addi %get3A_154, %add3A_159 : vector<16xi32>
      %swap3A_161 = arith.constant 0 : i32
      %swap3A_162 = arith.index_cast %swap3A_161 : i32 to index
      %swap3A_163 = arith.constant 48 : index
      %swap3A_164 = tpu.vector_load %arg6[%swap3A_162, %swap3A_163] {strides = array<i32>} : memref<5x128xi32, #tpu.memory_space<vmem>>, vector<1x16xi32>,
      %swap3A_165 = vector.shape_cast %swap3A_164 : vector<1x16xi32> to vector<16xi32>
      %swap3A_166 = vector.shape_cast %add3A_160 : vector<16xi32> to vector<1x16xi32>
      tpu.vector_store %arg6[%swap3A_162, %swap3A_163], %swap3A_166 {strides = array<i32>} : memref<5x128xi32, #tpu.memory_space<vmem>>, vector<1x16xi32>,
      %get3A_167 = arith.constant 0 : i32
      %get3A_168 = arith.index_cast %get3A_167 : i32 to index
      %get3A_169 = arith.constant 64 : index
      %get3A_170 = tpu.vector_load %arg5[%get3A_168, %get3A_169] {strides = array<i32>} : memref<5x128xi32, #tpu.memory_space<vmem>>, vector<1x16xi32>,
      %get3A_171 = vector.shape_cast %get3A_170 : vector<1x16xi32> to vector<16xi32>
      %mul3A_172 = arith.constant 248 : i32
      %mul3A_173 = arith.muli %mul3A_172, %add3A : i32
      %add3A_174 = arith.constant 0 : i32
      %add3A_175 = arith.addi %add3A_174, %mul3A_173 : i32
      %add3A_176 = vector.broadcast %add3A_175 : i32 to vector<16xi32>
      %add3A_177 = arith.addi %get3A_171, %add3A_176 : vector<16xi32>
      %swap3A_178 = arith.constant 0 : i32
      %swap3A_179 = arith.index_cast %swap3A_178 : i32 to index
      %swap3A_180 = arith.constant 64 : index
      %swap3A_181 = tpu.vector_load %arg6[%swap3A_179, %swap3A_180] {strides = array<i32>} : memref<5x128xi32, #tpu.memory_space<vmem>>, vector<1x16xi32>,
      %swap3A_182 = vector.shape_cast %swap3A_181 : vector<1x16xi32> to vector<16xi32>
      %swap3A_183 = vector.shape_cast %add3A_177 : vector<16xi32> to vector<1x16xi32>
      tpu.vector_store %arg6[%swap3A_179, %swap3A_180], %swap3A_183 {strides = array<i32>} : memref<5x128xi32, #tpu.memory_space<vmem>>, vector<1x16xi32>,
      %get3A_184 = arith.constant 0 : i32
      %get3A_185 = arith.index_cast %get3A_184 : i32 to index
      %get3A_186 = arith.constant 80 : index
      %get3A_187 = tpu.vector_load %arg5[%get3A_185, %get3A_186] {strides = array<i32>} : memref<5x128xi32, #tpu.memory_space<vmem>>, vector<1x16xi32>,
      %get3A_188 = vector.shape_cast %get3A_187 : vector<1x16xi32> to vector<16xi32>
      %mul3A_189 = arith.constant 248 : i32
      %mul3A_190 = arith.muli %mul3A_189, %add3A : i32
      %add3A_191 = arith.constant 0 : i32
      %add3A_192 = arith.addi %add3A_191, %mul3A_190 : i32
      %add3A_193 = vector.broadcast %add3A_192 : i32 to vector<16xi32>
      %add3A_194 = arith.addi %get3A_188, %add3A_193 : vector<16xi32>
      %swap3A_195 = arith.constant 0 : i32
      %swap3A_196 = arith.index_cast %swap3A_195 : i32 to index
      %swap3A_197 = arith.constant 80 : index
      %swap3A_198 = tpu.vector_load %arg6[%swap3A_196, %swap3A_197] {strides = array<i32>} : memref<5x128xi32, #tpu.memory_space<vmem>>, vector<1x16xi32>,
      %swap3A_199 = vector.shape_cast %swap3A_198 : vector<1x16xi32> to vector<16xi32>
      %swap3A_200 = vector.shape_cast %add3A_194 : vector<16xi32> to vector<1x16xi32>
      tpu.vector_store %arg6[%swap3A_196, %swap3A_197], %swap3A_200 {strides = array<i32>} : memref<5x128xi32, #tpu.memory_space<vmem>>, vector<1x16xi32>,
      %get3A_201 = arith.constant 0 : i32
      %get3A_202 = arith.index_cast %get3A_201 : i32 to index
      %get3A_203 = arith.constant 96 : index
      %get3A_204 = tpu.vector_load %arg5[%get3A_202, %get3A_203] {strides = array<i32>} : memref<5x128xi32, #tpu.memory_space<vmem>>, vector<1x16xi32>,
      %get3A_205 = vector.shape_cast %get3A_204 : vector<1x16xi32> to vector<16xi32>
      %mul3A_206 = arith.constant 248 : i32
      %mul3A_207 = arith.muli %mul3A_206, %add3A : i32
      %add3A_208 = arith.constant 0 : i32
      %add3A_209 = arith.addi %add3A_208, %mul3A_207 : i32
      %add3A_210 = vector.broadcast %add3A_209 : i32 to vector<16xi32>
      %add3A_211 = arith.addi %get3A_205, %add3A_210 : vector<16xi32>
      %swap3A_212 = arith.constant 0 : i32
      %swap3A_213 = arith.index_cast %swap3A_212 : i32 to index
      %swap3A_214 = arith.constant 96 : index
      %swap3A_215 = tpu.vector_load %arg6[%swap3A_213, %swap3A_214] {strides = array<i32>} : memref<5x128xi32, #tpu.memory_space<vmem>>, vector<1x16xi32>,
      %swap3A_216 = vector.shape_cast %swap3A_215 : vector<1x16xi32> to vector<16xi32>
      %swap3A_217 = vector.shape_cast %add3A_211 : vector<16xi32> to vector<1x16xi32>
      tpu.vector_store %arg6[%swap3A_213, %swap3A_214], %swap3A_217 {strides = array<i32>} : memref<5x128xi32, #tpu.memory_space<vmem>>, vector<1x16xi32>,
      %get3A_218 = arith.constant 0 : i32
      %get3A_219 = arith.index_cast %get3A_218 : i32 to index
      %get3A_220 = arith.constant 112 : index
      %get3A_221 = tpu.vector_load %arg5[%get3A_219, %get3A_220] {strides = array<i32>} : memref<5x128xi32, #tpu.memory_space<vmem>>, vector<1x16xi32>,
      %get3A_222 = vector.shape_cast %get3A_221 : vector<1x16xi32> to vector<16xi32>
      %mul3A_223 = arith.constant 248 : i32
      %mul3A_224 = arith.muli %mul3A_223, %add3A : i32
      %add3A_225 = arith.constant 0 : i32
      %add3A_226 = arith.addi %add3A_225, %mul3A_224 : i32
      %add3A_227 = vector.broadcast %add3A_226 : i32 to vector<16xi32>
      %add3A_228 = arith.addi %get3A_222, %add3A_227 : vector<16xi32>
      %swap3A_229 = arith.constant 0 : i32
      %swap3A_230 = arith.index_cast %swap3A_229 : i32 to index
      %swap3A_231 = arith.constant 112 : index
      %swap3A_232 = tpu.vector_load %arg6[%swap3A_230, %swap3A_231] {strides = array<i32>} : memref<5x128xi32, #tpu.memory_space<vmem>>, vector<1x16xi32>,
      %swap3A_233 = vector.shape_cast %swap3A_232 : vector<1x16xi32> to vector<16xi32>
      %swap3A_234 = vector.shape_cast %add3A_228 : vector<16xi32> to vector<1x16xi32>
      tpu.vector_store %arg6[%swap3A_230, %swap3A_231], %swap3A_234 {strides = array<i32>} : memref<5x128xi32, #tpu.memory_space<vmem>>, vector<1x16xi32>,
      %get3A_235 = arith.constant 1 : i32
      %get3A_236 = arith.index_cast %get3A_235 : i32 to index
      %get3A_237 = arith.constant 0 : index
      %get3A_238 = tpu.vector_load %arg5[%get3A_236, %get3A_237] {strides = array<i32>} : memref<5x128xi32, #tpu.memory_space<vmem>>, vector<1x16xi32>,
      %get3A_239 = vector.shape_cast %get3A_238 : vector<1x16xi32> to vector<16xi32>
      %mul3A_240 = arith.constant 248 : i32
      %mul3A_241 = arith.muli %mul3A_240, %add3A : i32
      %add3A_242 = arith.constant 32 : i32
      %add3A_243 = arith.addi %add3A_242, %mul3A_241 : i32
      %add3A_244 = vector.broadcast %add3A_243 : i32 to vector<16xi32>
      %add3A_245 = arith.addi %get3A_239, %add3A_244 : vector<16xi32>
      %swap3A_246 = arith.constant 1 : i32
      %swap3A_247 = arith.index_cast %swap3A_246 : i32 to index
      %swap3A_248 = arith.constant 0 : index
      %swap3A_249 = tpu.vector_load %arg6[%swap3A_247, %swap3A_248] {strides = array<i32>} : memref<5x128xi32, #tpu.memory_space<vmem>>, vector<1x16xi32>,
      %swap3A_250 = vector.shape_cast %swap3A_249 : vector<1x16xi32> to vector<16xi32>
      %swap3A_251 = vector.shape_cast %add3A_245 : vector<16xi32> to vector<1x16xi32>
      tpu.vector_store %arg6[%swap3A_247, %swap3A_248], %swap3A_251 {strides = array<i32>} : memref<5x128xi32, #tpu.memory_space<vmem>>, vector<1x16xi32>,
      %get3A_252 = arith.constant 1 : i32
      %get3A_253 = arith.index_cast %get3A_252 : i32 to index
      %get3A_254 = arith.constant 16 : index
      %get3A_255 = tpu.vector_load %arg5[%get3A_253, %get3A_254] {strides = array<i32>} : memref<5x128xi32, #tpu.memory_space<vmem>>, vector<1x16xi32>,
      %get3A_256 = vector.shape_cast %get3A_255 : vector<1x16xi32> to vector<16xi32>
      %mul3A_257 = arith.constant 248 : i32
      %mul3A_258 = arith.muli %mul3A_257, %add3A : i32
      %add3A_259 = arith.constant 32 : i32
      %add3A_260 = arith.addi %add3A_259, %mul3A_258 : i32
      %add3A_261 = vector.broadcast %add3A_260 : i32 to vector<16xi32>
      %add3A_262 = arith.addi %get3A_256, %add3A_261 : vector<16xi32>
      %swap3A_263 = arith.constant 1 : i32
      %swap3A_264 = arith.index_cast %swap3A_263 : i32 to index
      %swap3A_265 = arith.constant 16 : index
      %swap3A_266 = tpu.vector_load %arg6[%swap3A_264, %swap3A_265] {strides = array<i32>} : memref<5x128xi32, #tpu.memory_space<vmem>>, vector<1x16xi32>,
      %swap3A_267 = vector.shape_cast %swap3A_266 : vector<1x16xi32> to vector<16xi32>
      %swap3A_268 = vector.shape_cast %add3A_262 : vector<16xi32> to vector<1x16xi32>
      tpu.vector_store %arg6[%swap3A_264, %swap3A_265], %swap3A_268 {strides = array<i32>} : memref<5x128xi32, #tpu.memory_space<vmem>>, vector<1x16xi32>,
      %get3A_269 = arith.constant 1 : i32
      %get3A_270 = arith.index_cast %get3A_269 : i32 to index
      %get3A_271 = arith.constant 32 : index
      %get3A_272 = tpu.vector_load %arg5[%get3A_270, %get3A_271] {strides = array<i32>} : memref<5x128xi32, #tpu.memory_space<vmem>>, vector<1x16xi32>,
      %get3A_273 = vector.shape_cast %get3A_272 : vector<1x16xi32> to vector<16xi32>
      %mul3A_274 = arith.constant 248 : i32
      %mul3A_275 = arith.muli %mul3A_274, %add3A : i32
      %add3A_276 = arith.constant 32 : i32
      %add3A_277 = arith.addi %add3A_276, %mul3A_275 : i32
      %add3A_278 = vector.broadcast %add3A_277 : i32 to vector<16xi32>
      %add3A_279 = arith.addi %get3A_273, %add3A_278 : vector<16xi32>
      %swap3A_280 = arith.constant 1 : i32
      %swap3A_281 = arith.index_cast %swap3A_280 : i32 to index
      %swap3A_282 = arith.constant 32 : index
      %swap3A_283 = tpu.vector_load %arg6[%swap3A_281, %swap3A_282] {strides = array<i32>} : memref<5x128xi32, #tpu.memory_space<vmem>>, vector<1x16xi32>,
      %swap3A_284 = vector.shape_cast %swap3A_283 : vector<1x16xi32> to vector<16xi32>
      %swap3A_285 = vector.shape_cast %add3A_279 : vector<16xi32> to vector<1x16xi32>
      tpu.vector_store %arg6[%swap3A_281, %swap3A_282], %swap3A_285 {strides = array<i32>} : memref<5x128xi32, #tpu.memory_space<vmem>>, vector<1x16xi32>,
      %get3A_286 = arith.constant 1 : i32
      %get3A_287 = arith.index_cast %get3A_286 : i32 to index
      %get3A_288 = arith.constant 48 : index
      %get3A_289 = tpu.vector_load %arg5[%get3A_287, %get3A_288] {strides = array<i32>} : memref<5x128xi32, #tpu.memory_space<vmem>>, vector<1x16xi32>,
      %get3A_290 = vector.shape_cast %get3A_289 : vector<1x16xi32> to vector<16xi32>
      %mul3A_291 = arith.constant 248 : i32
      %mul3A_292 = arith.muli %mul3A_291, %add3A : i32
      %add3A_293 = arith.constant 32 : i32
      %add3A_294 = arith.addi %add3A_293, %mul3A_292 : i32
      %add3A_295 = vector.broadcast %add3A_294 : i32 to vector<16xi32>
      %add3A_296 = arith.addi %get3A_290, %add3A_295 : vector<16xi32>
      %swap3A_297 = arith.constant 1 : i32
      %swap3A_298 = arith.index_cast %swap3A_297 : i32 to index
      %swap3A_299 = arith.constant 48 : index
      %swap3A_300 = tpu.vector_load %arg6[%swap3A_298, %swap3A_299] {strides = array<i32>} : memref<5x128xi32, #tpu.memory_space<vmem>>, vector<1x16xi32>,
      %swap3A_301 = vector.shape_cast %swap3A_300 : vector<1x16xi32> to vector<16xi32>
      %swap3A_302 = vector.shape_cast %add3A_296 : vector<16xi32> to vector<1x16xi32>
      tpu.vector_store %arg6[%swap3A_298, %swap3A_299], %swap3A_302 {strides = array<i32>} : memref<5x128xi32, #tpu.memory_space<vmem>>, vector<1x16xi32>,
      %get3A_303 = arith.constant 1 : i32
      %get3A_304 = arith.index_cast %get3A_303 : i32 to index
      %get3A_305 = arith.constant 64 : index
      %get3A_306 = tpu.vector_load %arg5[%get3A_304, %get3A_305] {strides = array<i32>} : memref<5x128xi32, #tpu.memory_space<vmem>>, vector<1x16xi32>,
      %get3A_307 = vector.shape_cast %get3A_306 : vector<1x16xi32> to vector<16xi32>
      %mul3A_308 = arith.constant 248 : i32
      %mul3A_309 = arith.muli %mul3A_308, %add3A : i32
      %add3A_310 = arith.constant 32 : i32
      %add3A_311 = arith.addi %add3A_310, %mul3A_309 : i32
      %add3A_312 = vector.broadcast %add3A_311 : i32 to vector<16xi32>
      %add3A_313 = arith.addi %get3A_307, %add3A_312 : vector<16xi32>
      %swap3A_314 = arith.constant 1 : i32
      %swap3A_315 = arith.index_cast %swap3A_314 : i32 to index
      %swap3A_316 = arith.constant 64 : index
      %swap3A_317 = tpu.vector_load %arg6[%swap3A_315, %swap3A_316] {strides = array<i32>} : memref<5x128xi32, #tpu.memory_space<vmem>>, vector<1x16xi32>,
      %swap3A_318 = vector.shape_cast %swap3A_317 : vector<1x16xi32> to vector<16xi32>
      %swap3A_319 = vector.shape_cast %add3A_313 : vector<16xi32> to vector<1x16xi32>
      tpu.vector_store %arg6[%swap3A_315, %swap3A_316], %swap3A_319 {strides = array<i32>} : memref<5x128xi32, #tpu.memory_space<vmem>>, vector<1x16xi32>,
      %get3A_320 = arith.constant 1 : i32
      %get3A_321 = arith.index_cast %get3A_320 : i32 to index
      %get3A_322 = arith.constant 80 : index
      %get3A_323 = tpu.vector_load %arg5[%get3A_321, %get3A_322] {strides = array<i32>} : memref<5x128xi32, #tpu.memory_space<vmem>>, vector<1x16xi32>,
      %get3A_324 = vector.shape_cast %get3A_323 : vector<1x16xi32> to vector<16xi32>
      %mul3A_325 = arith.constant 248 : i32
      %mul3A_326 = arith.muli %mul3A_325, %add3A : i32
      %add3A_327 = arith.constant 32 : i32
      %add3A_328 = arith.addi %add3A_327, %mul3A_326 : i32
      %add3A_329 = vector.broadcast %add3A_328 : i32 to vector<16xi32>
      %add3A_330 = arith.addi %get3A_324, %add3A_329 : vector<16xi32>
      %swap3A_331 = arith.constant 1 : i32
      %swap3A_332 = arith.index_cast %swap3A_331 : i32 to index
      %swap3A_333 = arith.constant 80 : index
      %swap3A_334 = tpu.vector_load %arg6[%swap3A_332, %swap3A_333] {strides = array<i32>} : memref<5x128xi32, #tpu.memory_space<vmem>>, vector<1x16xi32>,
      %swap3A_335 = vector.shape_cast %swap3A_334 : vector<1x16xi32> to vector<16xi32>
      %swap3A_336 = vector.shape_cast %add3A_330 : vector<16xi32> to vector<1x16xi32>
      tpu.vector_store %arg6[%swap3A_332, %swap3A_333], %swap3A_336 {strides = array<i32>} : memref<5x128xi32, #tpu.memory_space<vmem>>, vector<1x16xi32>,
      %get3A_337 = arith.constant 1 : i32
      %get3A_338 = arith.index_cast %get3A_337 : i32 to index
      %get3A_339 = arith.constant 96 : index
      %get3A_340 = tpu.vector_load %arg5[%get3A_338, %get3A_339] {strides = array<i32>} : memref<5x128xi32, #tpu.memory_space<vmem>>, vector<1x16xi32>,
      %get3A_341 = vector.shape_cast %get3A_340 : vector<1x16xi32> to vector<16xi32>
      %mul3A_342 = arith.constant 248 : i32
      %mul3A_343 = arith.muli %mul3A_342, %add3A : i32
      %add3A_344 = arith.constant 32 : i32
      %add3A_345 = arith.addi %add3A_344, %mul3A_343 : i32
      %add3A_346 = vector.broadcast %add3A_345 : i32 to vector<16xi32>
      %add3A_347 = arith.addi %get3A_341, %add3A_346 : vector<16xi32>
      %swap3A_348 = arith.constant 1 : i32
      %swap3A_349 = arith.index_cast %swap3A_348 : i32 to index
      %swap3A_350 = arith.constant 96 : index
      %swap3A_351 = tpu.vector_load %arg6[%swap3A_349, %swap3A_350] {strides = array<i32>} : memref<5x128xi32, #tpu.memory_space<vmem>>, vector<1x16xi32>,
      %swap3A_352 = vector.shape_cast %swap3A_351 : vector<1x16xi32> to vector<16xi32>
      %swap3A_353 = vector.shape_cast %add3A_347 : vector<16xi32> to vector<1x16xi32>
      tpu.vector_store %arg6[%swap3A_349, %swap3A_350], %swap3A_353 {strides = array<i32>} : memref<5x128xi32, #tpu.memory_space<vmem>>, vector<1x16xi32>,
      %get3A_354 = arith.constant 1 : i32
      %get3A_355 = arith.index_cast %get3A_354 : i32 to index
      %get3A_356 = arith.constant 112 : index
      %get3A_357 = tpu.vector_load %arg5[%get3A_355, %get3A_356] {strides = array<i32>} : memref<5x128xi32, #tpu.memory_space<vmem>>, vector<1x16xi32>,
      %get3A_358 = vector.shape_cast %get3A_357 : vector<1x16xi32> to vector<16xi32>
      %mul3A_359 = arith.constant 248 : i32
      %mul3A_360 = arith.muli %mul3A_359, %add3A : i32
      %add3A_361 = arith.constant 32 : i32
      %add3A_362 = arith.addi %add3A_361, %mul3A_360 : i32
      %add3A_363 = vector.broadcast %add3A_362 : i32 to vector<16xi32>
      %add3A_364 = arith.addi %get3A_358, %add3A_363 : vector<16xi32>
      %swap3A_365 = arith.constant 1 : i32
      %swap3A_366 = arith.index_cast %swap3A_365 : i32 to index
      %swap3A_367 = arith.constant 112 : index
      %swap3A_368 = tpu.vector_load %arg6[%swap3A_366, %swap3A_367] {strides = array<i32>} : memref<5x128xi32, #tpu.memory_space<vmem>>, vector<1x16xi32>,
      %swap3A_369 = vector.shape_cast %swap3A_368 : vector<1x16xi32> to vector<16xi32>
      %swap3A_370 = vector.shape_cast %add3A_364 : vector<16xi32> to vector<1x16xi32>
      tpu.vector_store %arg6[%swap3A_366, %swap3A_367], %swap3A_370 {strides = array<i32>} : memref<5x128xi32, #tpu.memory_space<vmem>>, vector<1x16xi32>,
      %get3A_371 = arith.constant 2 : i32
      %get3A_372 = arith.index_cast %get3A_371 : i32 to index
      %get3A_373 = arith.constant 0 : index
      %get3A_374 = tpu.vector_load %arg5[%get3A_372, %get3A_373] {strides = array<i32>} : memref<5x128xi32, #tpu.memory_space<vmem>>, vector<1x16xi32>,
      %get3A_375 = vector.shape_cast %get3A_374 : vector<1x16xi32> to vector<16xi32>
      %mul3A_376 = arith.constant 248 : i32
      %mul3A_377 = arith.muli %mul3A_376, %add3A : i32
      %add3A_378 = arith.constant 48 : i32
      %add3A_379 = arith.addi %add3A_378, %mul3A_377 : i32
      %add3A_380 = vector.broadcast %add3A_379 : i32 to vector<16xi32>
      %add3A_381 = arith.addi %get3A_375, %add3A_380 : vector<16xi32>
      %swap3A_382 = arith.constant 2 : i32
      %swap3A_383 = arith.index_cast %swap3A_382 : i32 to index
      %swap3A_384 = arith.constant 0 : index
      %swap3A_385 = tpu.vector_load %arg6[%swap3A_383, %swap3A_384] {strides = array<i32>} : memref<5x128xi32, #tpu.memory_space<vmem>>, vector<1x16xi32>,
      %swap3A_386 = vector.shape_cast %swap3A_385 : vector<1x16xi32> to vector<16xi32>
      %swap3A_387 = vector.shape_cast %add3A_381 : vector<16xi32> to vector<1x16xi32>
      tpu.vector_store %arg6[%swap3A_383, %swap3A_384], %swap3A_387 {strides = array<i32>} : memref<5x128xi32, #tpu.memory_space<vmem>>, vector<1x16xi32>,
      %get3A_388 = arith.constant 2 : i32
      %get3A_389 = arith.index_cast %get3A_388 : i32 to index
      %get3A_390 = arith.constant 16 : index
      %get3A_391 = tpu.vector_load %arg5[%get3A_389, %get3A_390] {strides = array<i32>} : memref<5x128xi32, #tpu.memory_space<vmem>>, vector<1x16xi32>,
      %get3A_392 = vector.shape_cast %get3A_391 : vector<1x16xi32> to vector<16xi32>
      %mul3A_393 = arith.constant 248 : i32
      %mul3A_394 = arith.muli %mul3A_393, %add3A : i32
      %add3A_395 = arith.constant 48 : i32
      %add3A_396 = arith.addi %add3A_395, %mul3A_394 : i32
      %add3A_397 = vector.broadcast %add3A_396 : i32 to vector<16xi32>
      %add3A_398 = arith.addi %get3A_392, %add3A_397 : vector<16xi32>
      %swap3A_399 = arith.constant 2 : i32
      %swap3A_400 = arith.index_cast %swap3A_399 : i32 to index
      %swap3A_401 = arith.constant 16 : index
      %swap3A_402 = tpu.vector_load %arg6[%swap3A_400, %swap3A_401] {strides = array<i32>} : memref<5x128xi32, #tpu.memory_space<vmem>>, vector<1x16xi32>,
      %swap3A_403 = vector.shape_cast %swap3A_402 : vector<1x16xi32> to vector<16xi32>
      %swap3A_404 = vector.shape_cast %add3A_398 : vector<16xi32> to vector<1x16xi32>
      tpu.vector_store %arg6[%swap3A_400, %swap3A_401], %swap3A_404 {strides = array<i32>} : memref<5x128xi32, #tpu.memory_space<vmem>>, vector<1x16xi32>,
      %get3A_405 = arith.constant 2 : i32
      %get3A_406 = arith.index_cast %get3A_405 : i32 to index
      %get3A_407 = arith.constant 32 : index
      %get3A_408 = tpu.vector_load %arg5[%get3A_406, %get3A_407] {strides = array<i32>} : memref<5x128xi32, #tpu.memory_space<vmem>>, vector<1x16xi32>,
      %get3A_409 = vector.shape_cast %get3A_408 : vector<1x16xi32> to vector<16xi32>
      %mul3A_410 = arith.constant 248 : i32
      %mul3A_411 = arith.muli %mul3A_410, %add3A : i32
      %add3A_412 = arith.constant 48 : i32
      %add3A_413 = arith.addi %add3A_412, %mul3A_411 : i32
      %add3A_414 = vector.broadcast %add3A_413 : i32 to vector<16xi32>
      %add3A_415 = arith.addi %get3A_409, %add3A_414 : vector<16xi32>
      %swap3A_416 = arith.constant 2 : i32
      %swap3A_417 = arith.index_cast %swap3A_416 : i32 to index
      %swap3A_418 = arith.constant 32 : index
      %swap3A_419 = tpu.vector_load %arg6[%swap3A_417, %swap3A_418] {strides = array<i32>} : memref<5x128xi32, #tpu.memory_space<vmem>>, vector<1x16xi32>,
      %swap3A_420 = vector.shape_cast %swap3A_419 : vector<1x16xi32> to vector<16xi32>
      %swap3A_421 = vector.shape_cast %add3A_415 : vector<16xi32> to vector<1x16xi32>
      tpu.vector_store %arg6[%swap3A_417, %swap3A_418], %swap3A_421 {strides = array<i32>} : memref<5x128xi32, #tpu.memory_space<vmem>>, vector<1x16xi32>,
      %get3A_422 = arith.constant 2 : i32
      %get3A_423 = arith.index_cast %get3A_422 : i32 to index
      %get3A_424 = arith.constant 48 : index
      %get3A_425 = tpu.vector_load %arg5[%get3A_423, %get3A_424] {strides = array<i32>} : memref<5x128xi32, #tpu.memory_space<vmem>>, vector<1x16xi32>,
      %get3A_426 = vector.shape_cast %get3A_425 : vector<1x16xi32> to vector<16xi32>
      %mul3A_427 = arith.constant 248 : i32
      %mul3A_428 = arith.muli %mul3A_427, %add3A : i32
      %add3A_429 = arith.constant 48 : i32
      %add3A_430 = arith.addi %add3A_429, %mul3A_428 : i32
      %add3A_431 = vector.broadcast %add3A_430 : i32 to vector<16xi32>
      %add3A_432 = arith.addi %get3A_426, %add3A_431 : vector<16xi32>
      %swap3A_433 = arith.constant 2 : i32
      %swap3A_434 = arith.index_cast %swap3A_433 : i32 to index
      %swap3A_435 = arith.constant 48 : index
      %swap3A_436 = tpu.vector_load %arg6[%swap3A_434, %swap3A_435] {strides = array<i32>} : memref<5x128xi32, #tpu.memory_space<vmem>>, vector<1x16xi32>,
      %swap3A_437 = vector.shape_cast %swap3A_436 : vector<1x16xi32> to vector<16xi32>
      %swap3A_438 = vector.shape_cast %add3A_432 : vector<16xi32> to vector<1x16xi32>
      tpu.vector_store %arg6[%swap3A_434, %swap3A_435], %swap3A_438 {strides = array<i32>} : memref<5x128xi32, #tpu.memory_space<vmem>>, vector<1x16xi32>,
      %get3A_439 = arith.constant 2 : i32
      %get3A_440 = arith.index_cast %get3A_439 : i32 to index
      %get3A_441 = arith.constant 64 : index
      %get3A_442 = tpu.vector_load %arg5[%get3A_440, %get3A_441] {strides = array<i32>} : memref<5x128xi32, #tpu.memory_space<vmem>>, vector<1x16xi32>,
      %get3A_443 = vector.shape_cast %get3A_442 : vector<1x16xi32> to vector<16xi32>
      %mul3A_444 = arith.constant 248 : i32
      %mul3A_445 = arith.muli %mul3A_444, %add3A : i32
      %add3A_446 = arith.constant 48 : i32
      %add3A_447 = arith.addi %add3A_446, %mul3A_445 : i32
      %add3A_448 = vector.broadcast %add3A_447 : i32 to vector<16xi32>
      %add3A_449 = arith.addi %get3A_443, %add3A_448 : vector<16xi32>
      %swap3A_450 = arith.constant 2 : i32
      %swap3A_451 = arith.index_cast %swap3A_450 : i32 to index
      %swap3A_452 = arith.constant 64 : index
      %swap3A_453 = tpu.vector_load %arg6[%swap3A_451, %swap3A_452] {strides = array<i32>} : memref<5x128xi32, #tpu.memory_space<vmem>>, vector<1x16xi32>,
      %swap3A_454 = vector.shape_cast %swap3A_453 : vector<1x16xi32> to vector<16xi32>
      %swap3A_455 = vector.shape_cast %add3A_449 : vector<16xi32> to vector<1x16xi32>
      tpu.vector_store %arg6[%swap3A_451, %swap3A_452], %swap3A_455 {strides = array<i32>} : memref<5x128xi32, #tpu.memory_space<vmem>>, vector<1x16xi32>,
      %get3A_456 = arith.constant 2 : i32
      %get3A_457 = arith.index_cast %get3A_456 : i32 to index
      %get3A_458 = arith.constant 80 : index
      %get3A_459 = tpu.vector_load %arg5[%get3A_457, %get3A_458] {strides = array<i32>} : memref<5x128xi32, #tpu.memory_space<vmem>>, vector<1x16xi32>,
      %get3A_460 = vector.shape_cast %get3A_459 : vector<1x16xi32> to vector<16xi32>
      %mul3A_461 = arith.constant 248 : i32
      %mul3A_462 = arith.muli %mul3A_461, %add3A : i32
      %add3A_463 = arith.constant 48 : i32
      %add3A_464 = arith.addi %add3A_463, %mul3A_462 : i32
      %add3A_465 = vector.broadcast %add3A_464 : i32 to vector<16xi32>
      %add3A_466 = arith.addi %get3A_460, %add3A_465 : vector<16xi32>
      %swap3A_467 = arith.constant 2 : i32
      %swap3A_468 = arith.index_cast %swap3A_467 : i32 to index
      %swap3A_469 = arith.constant 80 : index
      %swap3A_470 = tpu.vector_load %arg6[%swap3A_468, %swap3A_469] {strides = array<i32>} : memref<5x128xi32, #tpu.memory_space<vmem>>, vector<1x16xi32>,
      %swap3A_471 = vector.shape_cast %swap3A_470 : vector<1x16xi32> to vector<16xi32>
      %swap3A_472 = vector.shape_cast %add3A_466 : vector<16xi32> to vector<1x16xi32>
      tpu.vector_store %arg6[%swap3A_468, %swap3A_469], %swap3A_472 {strides = array<i32>} : memref<5x128xi32, #tpu.memory_space<vmem>>, vector<1x16xi32>,
      %get3A_473 = arith.constant 2 : i32
      %get3A_474 = arith.index_cast %get3A_473 : i32 to index
      %get3A_475 = arith.constant 96 : index
      %get3A_476 = tpu.vector_load %arg5[%get3A_474, %get3A_475] {strides = array<i32>} : memref<5x128xi32, #tpu.memory_space<vmem>>, vector<1x16xi32>,
      %get3A_477 = vector.shape_cast %get3A_476 : vector<1x16xi32> to vector<16xi32>
      %mul3A_478 = arith.constant 248 : i32
      %mul3A_479 = arith.muli %mul3A_478, %add3A : i32
      %add3A_480 = arith.constant 48 : i32
      %add3A_481 = arith.addi %add3A_480, %mul3A_479 : i32
      %add3A_482 = vector.broadcast %add3A_481 : i32 to vector<16xi32>
      %add3A_483 = arith.addi %get3A_477, %add3A_482 : vector<16xi32>
      %swap3A_484 = arith.constant 2 : i32
      %swap3A_485 = arith.index_cast %swap3A_484 : i32 to index
      %swap3A_486 = arith.constant 96 : index
      %swap3A_487 = tpu.vector_load %arg6[%swap3A_485, %swap3A_486] {strides = array<i32>} : memref<5x128xi32, #tpu.memory_space<vmem>>, vector<1x16xi32>,
      %swap3A_488 = vector.shape_cast %swap3A_487 : vector<1x16xi32> to vector<16xi32>
      %swap3A_489 = vector.shape_cast %add3A_483 : vector<16xi32> to vector<1x16xi32>
      tpu.vector_store %arg6[%swap3A_485, %swap3A_486], %swap3A_489 {strides = array<i32>} : memref<5x128xi32, #tpu.memory_space<vmem>>, vector<1x16xi32>,
      %get3A_490 = arith.constant 2 : i32
      %get3A_491 = arith.index_cast %get3A_490 : i32 to index
      %get3A_492 = arith.constant 112 : index
      %get3A_493 = tpu.vector_load %arg5[%get3A_491, %get3A_492] {strides = array<i32>} : memref<5x128xi32, #tpu.memory_space<vmem>>, vector<1x16xi32>,
      %get3A_494 = vector.shape_cast %get3A_493 : vector<1x16xi32> to vector<16xi32>
      %mul3A_495 = arith.constant 248 : i32
      %mul3A_496 = arith.muli %mul3A_495, %add3A : i32
      %add3A_497 = arith.constant 48 : i32
      %add3A_498 = arith.addi %add3A_497, %mul3A_496 : i32
      %add3A_499 = vector.broadcast %add3A_498 : i32 to vector<16xi32>
      %add3A_500 = arith.addi %get3A_494, %add3A_499 : vector<16xi32>
      %swap3A_501 = arith.constant 2 : i32
      %swap3A_502 = arith.index_cast %swap3A_501 : i32 to index
      %swap3A_503 = arith.constant 112 : index
      %swap3A_504 = tpu.vector_load %arg6[%swap3A_502, %swap3A_503] {strides = array<i32>} : memref<5x128xi32, #tpu.memory_space<vmem>>, vector<1x16xi32>,
      %swap3A_505 = vector.shape_cast %swap3A_504 : vector<1x16xi32> to vector<16xi32>
      %swap3A_506 = vector.shape_cast %add3A_500 : vector<16xi32> to vector<1x16xi32>
      tpu.vector_store %arg6[%swap3A_502, %swap3A_503], %swap3A_506 {strides = array<i32>} : memref<5x128xi32, #tpu.memory_space<vmem>>, vector<1x16xi32>,
      %get3A_507 = arith.constant 3 : i32
      %get3A_508 = arith.index_cast %get3A_507 : i32 to index
      %get3A_509 = arith.constant 0 : index
      %get3A_510 = tpu.vector_load %arg5[%get3A_508, %get3A_509] {strides = array<i32>} : memref<5x128xi32, #tpu.memory_space<vmem>>, vector<1x16xi32>,
      %get3A_511 = vector.shape_cast %get3A_510 : vector<1x16xi32> to vector<16xi32>
      %mul3A_512 = arith.constant 248 : i32
      %mul3A_513 = arith.muli %mul3A_512, %add3A : i32
      %add3A_514 = arith.constant 56 : i32
      %add3A_515 = arith.addi %add3A_514, %mul3A_513 : i32
      %add3A_516 = vector.broadcast %add3A_515 : i32 to vector<16xi32>
      %add3A_517 = arith.addi %get3A_511, %add3A_516 : vector<16xi32>
      %swap3A_518 = arith.constant 3 : i32
      %swap3A_519 = arith.index_cast %swap3A_518 : i32 to index
      %swap3A_520 = arith.constant 0 : index
      %swap3A_521 = tpu.vector_load %arg6[%swap3A_519, %swap3A_520] {strides = array<i32>} : memref<5x128xi32, #tpu.memory_space<vmem>>, vector<1x16xi32>,
      %swap3A_522 = vector.shape_cast %swap3A_521 : vector<1x16xi32> to vector<16xi32>
      %swap3A_523 = vector.shape_cast %add3A_517 : vector<16xi32> to vector<1x16xi32>
      tpu.vector_store %arg6[%swap3A_519, %swap3A_520], %swap3A_523 {strides = array<i32>} : memref<5x128xi32, #tpu.memory_space<vmem>>, vector<1x16xi32>,
      %get3A_524 = arith.constant 3 : i32
      %get3A_525 = arith.index_cast %get3A_524 : i32 to index
      %get3A_526 = arith.constant 16 : index
      %get3A_527 = tpu.vector_load %arg5[%get3A_525, %get3A_526] {strides = array<i32>} : memref<5x128xi32, #tpu.memory_space<vmem>>, vector<1x16xi32>,
      %get3A_528 = vector.shape_cast %get3A_527 : vector<1x16xi32> to vector<16xi32>
      %mul3A_529 = arith.constant 248 : i32
      %mul3A_530 = arith.muli %mul3A_529, %add3A : i32
      %add3A_531 = arith.constant 56 : i32
      %add3A_532 = arith.addi %add3A_531, %mul3A_530 : i32
      %add3A_533 = vector.broadcast %add3A_532 : i32 to vector<16xi32>
      %add3A_534 = arith.addi %get3A_528, %add3A_533 : vector<16xi32>
      %swap3A_535 = arith.constant 3 : i32
      %swap3A_536 = arith.index_cast %swap3A_535 : i32 to index
      %swap3A_537 = arith.constant 16 : index
      %swap3A_538 = tpu.vector_load %arg6[%swap3A_536, %swap3A_537] {strides = array<i32>} : memref<5x128xi32, #tpu.memory_space<vmem>>, vector<1x16xi32>,
      %swap3A_539 = vector.shape_cast %swap3A_538 : vector<1x16xi32> to vector<16xi32>
      %swap3A_540 = vector.shape_cast %add3A_534 : vector<16xi32> to vector<1x16xi32>
      tpu.vector_store %arg6[%swap3A_536, %swap3A_537], %swap3A_540 {strides = array<i32>} : memref<5x128xi32, #tpu.memory_space<vmem>>, vector<1x16xi32>,
      %get3A_541 = arith.constant 3 : i32
      %get3A_542 = arith.index_cast %get3A_541 : i32 to index
      %get3A_543 = arith.constant 32 : index
      %get3A_544 = tpu.vector_load %arg5[%get3A_542, %get3A_543] {strides = array<i32>} : memref<5x128xi32, #tpu.memory_space<vmem>>, vector<1x16xi32>,
      %get3A_545 = vector.shape_cast %get3A_544 : vector<1x16xi32> to vector<16xi32>
      %mul3A_546 = arith.constant 248 : i32
      %mul3A_547 = arith.muli %mul3A_546, %add3A : i32
      %add3A_548 = arith.constant 56 : i32
      %add3A_549 = arith.addi %add3A_548, %mul3A_547 : i32
      %add3A_550 = vector.broadcast %add3A_549 : i32 to vector<16xi32>
      %add3A_551 = arith.addi %get3A_545, %add3A_550 : vector<16xi32>
      %swap3A_552 = arith.constant 3 : i32
      %swap3A_553 = arith.index_cast %swap3A_552 : i32 to index
      %swap3A_554 = arith.constant 32 : index
      %swap3A_555 = tpu.vector_load %arg6[%swap3A_553, %swap3A_554] {strides = array<i32>} : memref<5x128xi32, #tpu.memory_space<vmem>>, vector<1x16xi32>,
      %swap3A_556 = vector.shape_cast %swap3A_555 : vector<1x16xi32> to vector<16xi32>
      %swap3A_557 = vector.shape_cast %add3A_551 : vector<16xi32> to vector<1x16xi32>
      tpu.vector_store %arg6[%swap3A_553, %swap3A_554], %swap3A_557 {strides = array<i32>} : memref<5x128xi32, #tpu.memory_space<vmem>>, vector<1x16xi32>,
      %get3A_558 = arith.constant 3 : i32
      %get3A_559 = arith.index_cast %get3A_558 : i32 to index
      %get3A_560 = arith.constant 48 : index
      %get3A_561 = tpu.vector_load %arg5[%get3A_559, %get3A_560] {strides = array<i32>} : memref<5x128xi32, #tpu.memory_space<vmem>>, vector<1x16xi32>,
      %get3A_562 = vector.shape_cast %get3A_561 : vector<1x16xi32> to vector<16xi32>
      %mul3A_563 = arith.constant 248 : i32
      %mul3A_564 = arith.muli %mul3A_563, %add3A : i32
      %add3A_565 = arith.constant 56 : i32
      %add3A_566 = arith.addi %add3A_565, %mul3A_564 : i32
      %add3A_567 = vector.broadcast %add3A_566 : i32 to vector<16xi32>
      %add3A_568 = arith.addi %get3A_562, %add3A_567 : vector<16xi32>
      %swap3A_569 = arith.constant 3 : i32
      %swap3A_570 = arith.index_cast %swap3A_569 : i32 to index
      %swap3A_571 = arith.constant 48 : index
      %swap3A_572 = tpu.vector_load %arg6[%swap3A_570, %swap3A_571] {strides = array<i32>} : memref<5x128xi32, #tpu.memory_space<vmem>>, vector<1x16xi32>,
      %swap3A_573 = vector.shape_cast %swap3A_572 : vector<1x16xi32> to vector<16xi32>
      %swap3A_574 = vector.shape_cast %add3A_568 : vector<16xi32> to vector<1x16xi32>
      tpu.vector_store %arg6[%swap3A_570, %swap3A_571], %swap3A_574 {strides = array<i32>} : memref<5x128xi32, #tpu.memory_space<vmem>>, vector<1x16xi32>,
      %get3A_575 = arith.constant 3 : i32
      %get3A_576 = arith.index_cast %get3A_575 : i32 to index
      %get3A_577 = arith.constant 64 : index
      %get3A_578 = tpu.vector_load %arg5[%get3A_576, %get3A_577] {strides = array<i32>} : memref<5x128xi32, #tpu.memory_space<vmem>>, vector<1x16xi32>,
      %get3A_579 = vector.shape_cast %get3A_578 : vector<1x16xi32> to vector<16xi32>
      %mul3A_580 = arith.constant 248 : i32
      %mul3A_581 = arith.muli %mul3A_580, %add3A : i32
      %add3A_582 = arith.constant 56 : i32
      %add3A_583 = arith.addi %add3A_582, %mul3A_581 : i32
      %add3A_584 = vector.broadcast %add3A_583 : i32 to vector<16xi32>
      %add3A_585 = arith.addi %get3A_579, %add3A_584 : vector<16xi32>
      %swap3A_586 = arith.constant 3 : i32
      %swap3A_587 = arith.index_cast %swap3A_586 : i32 to index
      %swap3A_588 = arith.constant 64 : index
      %swap3A_589 = tpu.vector_load %arg6[%swap3A_587, %swap3A_588] {strides = array<i32>} : memref<5x128xi32, #tpu.memory_space<vmem>>, vector<1x16xi32>,
      %swap3A_590 = vector.shape_cast %swap3A_589 : vector<1x16xi32> to vector<16xi32>
      %swap3A_591 = vector.shape_cast %add3A_585 : vector<16xi32> to vector<1x16xi32>
      tpu.vector_store %arg6[%swap3A_587, %swap3A_588], %swap3A_591 {strides = array<i32>} : memref<5x128xi32, #tpu.memory_space<vmem>>, vector<1x16xi32>,
      %get3A_592 = arith.constant 3 : i32
      %get3A_593 = arith.index_cast %get3A_592 : i32 to index
      %get3A_594 = arith.constant 80 : index
      %get3A_595 = tpu.vector_load %arg5[%get3A_593, %get3A_594] {strides = array<i32>} : memref<5x128xi32, #tpu.memory_space<vmem>>, vector<1x16xi32>,
      %get3A_596 = vector.shape_cast %get3A_595 : vector<1x16xi32> to vector<16xi32>
      %mul3A_597 = arith.constant 248 : i32
      %mul3A_598 = arith.muli %mul3A_597, %add3A : i32
      %add3A_599 = arith.constant 56 : i32
      %add3A_600 = arith.addi %add3A_599, %mul3A_598 : i32
      %add3A_601 = vector.broadcast %add3A_600 : i32 to vector<16xi32>
      %add3A_602 = arith.addi %get3A_596, %add3A_601 : vector<16xi32>
      %swap3A_603 = arith.constant 3 : i32
      %swap3A_604 = arith.index_cast %swap3A_603 : i32 to index
      %swap3A_605 = arith.constant 80 : index
      %swap3A_606 = tpu.vector_load %arg6[%swap3A_604, %swap3A_605] {strides = array<i32>} : memref<5x128xi32, #tpu.memory_space<vmem>>, vector<1x16xi32>,
      %swap3A_607 = vector.shape_cast %swap3A_606 : vector<1x16xi32> to vector<16xi32>
      %swap3A_608 = vector.shape_cast %add3A_602 : vector<16xi32> to vector<1x16xi32>
      tpu.vector_store %arg6[%swap3A_604, %swap3A_605], %swap3A_608 {strides = array<i32>} : memref<5x128xi32, #tpu.memory_space<vmem>>, vector<1x16xi32>,
      %get3A_609 = arith.constant 3 : i32
      %get3A_610 = arith.index_cast %get3A_609 : i32 to index
      %get3A_611 = arith.constant 96 : index
      %get3A_612 = tpu.vector_load %arg5[%get3A_610, %get3A_611] {strides = array<i32>} : memref<5x128xi32, #tpu.memory_space<vmem>>, vector<1x16xi32>,
      %get3A_613 = vector.shape_cast %get3A_612 : vector<1x16xi32> to vector<16xi32>
      %mul3A_614 = arith.constant 248 : i32
      %mul3A_615 = arith.muli %mul3A_614, %add3A : i32
      %add3A_616 = arith.constant 56 : i32
      %add3A_617 = arith.addi %add3A_616, %mul3A_615 : i32
      %add3A_618 = vector.broadcast %add3A_617 : i32 to vector<16xi32>
      %add3A_619 = arith.addi %get3A_613, %add3A_618 : vector<16xi32>
      %swap3A_620 = arith.constant 3 : i32
      %swap3A_621 = arith.index_cast %swap3A_620 : i32 to index
      %swap3A_622 = arith.constant 96 : index
      %swap3A_623 = tpu.vector_load %arg6[%swap3A_621, %swap3A_622] {strides = array<i32>} : memref<5x128xi32, #tpu.memory_space<vmem>>, vector<1x16xi32>,
      %swap3A_624 = vector.shape_cast %swap3A_623 : vector<1x16xi32> to vector<16xi32>
      %swap3A_625 = vector.shape_cast %add3A_619 : vector<16xi32> to vector<1x16xi32>
      tpu.vector_store %arg6[%swap3A_621, %swap3A_622], %swap3A_625 {strides = array<i32>} : memref<5x128xi32, #tpu.memory_space<vmem>>, vector<1x16xi32>,
      %get3A_626 = arith.constant 3 : i32
      %get3A_627 = arith.index_cast %get3A_626 : i32 to index
      %get3A_628 = arith.constant 112 : index
      %get3A_629 = tpu.vector_load %arg5[%get3A_627, %get3A_628] {strides = array<i32>} : memref<5x128xi32, #tpu.memory_space<vmem>>, vector<1x16xi32>,
      %get3A_630 = vector.shape_cast %get3A_629 : vector<1x16xi32> to vector<16xi32>
      %mul3A_631 = arith.constant 248 : i32
      %mul3A_632 = arith.muli %mul3A_631, %add3A : i32
      %add3A_633 = arith.constant 56 : i32
      %add3A_634 = arith.addi %add3A_633, %mul3A_632 : i32
      %add3A_635 = vector.broadcast %add3A_634 : i32 to vector<16xi32>
      %add3A_636 = arith.addi %get3A_630, %add3A_635 : vector<16xi32>
      %swap3A_637 = arith.constant 3 : i32
      %swap3A_638 = arith.index_cast %swap3A_637 : i32 to index
      %swap3A_639 = arith.constant 112 : index
      %swap3A_640 = tpu.vector_load %arg6[%swap3A_638, %swap3A_639] {strides = array<i32>} : memref<5x128xi32, #tpu.memory_space<vmem>>, vector<1x16xi32>,
      %swap3A_641 = vector.shape_cast %swap3A_640 : vector<1x16xi32> to vector<16xi32>
      %swap3A_642 = vector.shape_cast %add3A_636 : vector<16xi32> to vector<1x16xi32>
      tpu.vector_store %arg6[%swap3A_638, %swap3A_639], %swap3A_642 {strides = array<i32>} : memref<5x128xi32, #tpu.memory_space<vmem>>, vector<1x16xi32>,
      %get3A_643 = arith.constant 4 : i32
      %get3A_644 = arith.index_cast %get3A_643 : i32 to index
      %get3A_645 = arith.constant 0 : index
      %get3A_646 = tpu.vector_load %arg5[%get3A_644, %get3A_645] {strides = array<i32>} : memref<5x128xi32, #tpu.memory_space<vmem>>, vector<1x16xi32>,
      %get3A_647 = vector.shape_cast %get3A_646 : vector<1x16xi32> to vector<16xi32>
      %mul3A_648 = arith.constant 248 : i32
      %mul3A_649 = arith.muli %mul3A_648, %add3A : i32
      %add3A_650 = arith.constant 120 : i32
      %add3A_651 = arith.addi %add3A_650, %mul3A_649 : i32
      %add3A_652 = vector.broadcast %add3A_651 : i32 to vector<16xi32>
      %add3A_653 = arith.addi %get3A_647, %add3A_652 : vector<16xi32>
      %swap3A_654 = arith.constant 4 : i32
      %swap3A_655 = arith.index_cast %swap3A_654 : i32 to index
      %swap3A_656 = arith.constant 0 : index
      %swap3A_657 = tpu.vector_load %arg6[%swap3A_655, %swap3A_656] {strides = array<i32>} : memref<5x128xi32, #tpu.memory_space<vmem>>, vector<1x16xi32>,
      %swap3A_658 = vector.shape_cast %swap3A_657 : vector<1x16xi32> to vector<16xi32>
      %swap3A_659 = vector.shape_cast %add3A_653 : vector<16xi32> to vector<1x16xi32>
      tpu.vector_store %arg6[%swap3A_655, %swap3A_656], %swap3A_659 {strides = array<i32>} : memref<5x128xi32, #tpu.memory_space<vmem>>, vector<1x16xi32>,
      %get3A_660 = arith.constant 4 : i32
      %get3A_661 = arith.index_cast %get3A_660 : i32 to index
      %get3A_662 = arith.constant 16 : index
      %get3A_663 = tpu.vector_load %arg5[%get3A_661, %get3A_662] {strides = array<i32>} : memref<5x128xi32, #tpu.memory_space<vmem>>, vector<1x16xi32>,
      %get3A_664 = vector.shape_cast %get3A_663 : vector<1x16xi32> to vector<16xi32>
      %mul3A_665 = arith.constant 248 : i32
      %mul3A_666 = arith.muli %mul3A_665, %add3A : i32
      %add3A_667 = arith.constant 120 : i32
      %add3A_668 = arith.addi %add3A_667, %mul3A_666 : i32
      %add3A_669 = vector.broadcast %add3A_668 : i32 to vector<16xi32>
      %add3A_670 = arith.addi %get3A_664, %add3A_669 : vector<16xi32>
      %swap3A_671 = arith.constant 4 : i32
      %swap3A_672 = arith.index_cast %swap3A_671 : i32 to index
      %swap3A_673 = arith.constant 16 : index
      %swap3A_674 = tpu.vector_load %arg6[%swap3A_672, %swap3A_673] {strides = array<i32>} : memref<5x128xi32, #tpu.memory_space<vmem>>, vector<1x16xi32>,
      %swap3A_675 = vector.shape_cast %swap3A_674 : vector<1x16xi32> to vector<16xi32>
      %swap3A_676 = vector.shape_cast %add3A_670 : vector<16xi32> to vector<1x16xi32>
      tpu.vector_store %arg6[%swap3A_672, %swap3A_673], %swap3A_676 {strides = array<i32>} : memref<5x128xi32, #tpu.memory_space<vmem>>, vector<1x16xi32>,
      %get3A_677 = arith.constant 4 : i32
      %get3A_678 = arith.index_cast %get3A_677 : i32 to index
      %get3A_679 = arith.constant 32 : index
      %get3A_680 = tpu.vector_load %arg5[%get3A_678, %get3A_679] {strides = array<i32>} : memref<5x128xi32, #tpu.memory_space<vmem>>, vector<1x16xi32>,
      %get3A_681 = vector.shape_cast %get3A_680 : vector<1x16xi32> to vector<16xi32>
      %mul3A_682 = arith.constant 248 : i32
      %mul3A_683 = arith.muli %mul3A_682, %add3A : i32
      %add3A_684 = arith.constant 120 : i32
      %add3A_685 = arith.addi %add3A_684, %mul3A_683 : i32
      %add3A_686 = vector.broadcast %add3A_685 : i32 to vector<16xi32>
      %add3A_687 = arith.addi %get3A_681, %add3A_686 : vector<16xi32>
      %swap3A_688 = arith.constant 4 : i32
      %swap3A_689 = arith.index_cast %swap3A_688 : i32 to index
      %swap3A_690 = arith.constant 32 : index
      %swap3A_691 = tpu.vector_load %arg6[%swap3A_689, %swap3A_690] {strides = array<i32>} : memref<5x128xi32, #tpu.memory_space<vmem>>, vector<1x16xi32>,
      %swap3A_692 = vector.shape_cast %swap3A_691 : vector<1x16xi32> to vector<16xi32>
      %swap3A_693 = vector.shape_cast %add3A_687 : vector<16xi32> to vector<1x16xi32>
      tpu.vector_store %arg6[%swap3A_689, %swap3A_690], %swap3A_693 {strides = array<i32>} : memref<5x128xi32, #tpu.memory_space<vmem>>, vector<1x16xi32>,
      %get3A_694 = arith.constant 4 : i32
      %get3A_695 = arith.index_cast %get3A_694 : i32 to index
      %get3A_696 = arith.constant 48 : index
      %get3A_697 = tpu.vector_load %arg5[%get3A_695, %get3A_696] {strides = array<i32>} : memref<5x128xi32, #tpu.memory_space<vmem>>, vector<1x16xi32>,
      %get3A_698 = vector.shape_cast %get3A_697 : vector<1x16xi32> to vector<16xi32>
      %mul3A_699 = arith.constant 248 : i32
      %mul3A_700 = arith.muli %mul3A_699, %add3A : i32
      %add3A_701 = arith.constant 120 : i32
      %add3A_702 = arith.addi %add3A_701, %mul3A_700 : i32
      %add3A_703 = vector.broadcast %add3A_702 : i32 to vector<16xi32>
      %add3A_704 = arith.addi %get3A_698, %add3A_703 : vector<16xi32>
      %swap3A_705 = arith.constant 4 : i32
      %swap3A_706 = arith.index_cast %swap3A_705 : i32 to index
      %swap3A_707 = arith.constant 48 : index
      %swap3A_708 = tpu.vector_load %arg6[%swap3A_706, %swap3A_707] {strides = array<i32>} : memref<5x128xi32, #tpu.memory_space<vmem>>, vector<1x16xi32>,
      %swap3A_709 = vector.shape_cast %swap3A_708 : vector<1x16xi32> to vector<16xi32>
      %swap3A_710 = vector.shape_cast %add3A_704 : vector<16xi32> to vector<1x16xi32>
      tpu.vector_store %arg6[%swap3A_706, %swap3A_707], %swap3A_710 {strides = array<i32>} : memref<5x128xi32, #tpu.memory_space<vmem>>, vector<1x16xi32>,
      %get3A_711 = arith.constant 4 : i32
      %get3A_712 = arith.index_cast %get3A_711 : i32 to index
      %get3A_713 = arith.constant 64 : index
      %get3A_714 = tpu.vector_load %arg5[%get3A_712, %get3A_713] {strides = array<i32>} : memref<5x128xi32, #tpu.memory_space<vmem>>, vector<1x16xi32>,
      %get3A_715 = vector.shape_cast %get3A_714 : vector<1x16xi32> to vector<16xi32>
      %mul3A_716 = arith.constant 248 : i32
      %mul3A_717 = arith.muli %mul3A_716, %add3A : i32
      %add3A_718 = arith.constant 120 : i32
      %add3A_719 = arith.addi %add3A_718, %mul3A_717 : i32
      %add3A_720 = vector.broadcast %add3A_719 : i32 to vector<16xi32>
      %add3A_721 = arith.addi %get3A_715, %add3A_720 : vector<16xi32>
      %swap3A_722 = arith.constant 4 : i32
      %swap3A_723 = arith.index_cast %swap3A_722 : i32 to index
      %swap3A_724 = arith.constant 64 : index
      %swap3A_725 = tpu.vector_load %arg6[%swap3A_723, %swap3A_724] {strides = array<i32>} : memref<5x128xi32, #tpu.memory_space<vmem>>, vector<1x16xi32>,
      %swap3A_726 = vector.shape_cast %swap3A_725 : vector<1x16xi32> to vector<16xi32>
      %swap3A_727 = vector.shape_cast %add3A_721 : vector<16xi32> to vector<1x16xi32>
      tpu.vector_store %arg6[%swap3A_723, %swap3A_724], %swap3A_727 {strides = array<i32>} : memref<5x128xi32, #tpu.memory_space<vmem>>, vector<1x16xi32>,
      %get3A_728 = arith.constant 4 : i32
      %get3A_729 = arith.index_cast %get3A_728 : i32 to index
      %get3A_730 = arith.constant 80 : index
      %get3A_731 = tpu.vector_load %arg5[%get3A_729, %get3A_730] {strides = array<i32>} : memref<5x128xi32, #tpu.memory_space<vmem>>, vector<1x16xi32>,
      %get3A_732 = vector.shape_cast %get3A_731 : vector<1x16xi32> to vector<16xi32>
      %mul3A_733 = arith.constant 248 : i32
      %mul3A_734 = arith.muli %mul3A_733, %add3A : i32
      %add3A_735 = arith.constant 120 : i32
      %add3A_736 = arith.addi %add3A_735, %mul3A_734 : i32
      %add3A_737 = vector.broadcast %add3A_736 : i32 to vector<16xi32>
      %add3A_738 = arith.addi %get3A_732, %add3A_737 : vector<16xi32>
      %swap3A_739 = arith.constant 4 : i32
      %swap3A_740 = arith.index_cast %swap3A_739 : i32 to index
      %swap3A_741 = arith.constant 80 : index
      %swap3A_742 = tpu.vector_load %arg6[%swap3A_740, %swap3A_741] {strides = array<i32>} : memref<5x128xi32, #tpu.memory_space<vmem>>, vector<1x16xi32>,
      %swap3A_743 = vector.shape_cast %swap3A_742 : vector<1x16xi32> to vector<16xi32>
      %swap3A_744 = vector.shape_cast %add3A_738 : vector<16xi32> to vector<1x16xi32>
      tpu.vector_store %arg6[%swap3A_740, %swap3A_741], %swap3A_744 {strides = array<i32>} : memref<5x128xi32, #tpu.memory_space<vmem>>, vector<1x16xi32>,
      %get3A_745 = arith.constant 4 : i32
      %get3A_746 = arith.index_cast %get3A_745 : i32 to index
      %get3A_747 = arith.constant 96 : index
      %get3A_748 = tpu.vector_load %arg5[%get3A_746, %get3A_747] {strides = array<i32>} : memref<5x128xi32, #tpu.memory_space<vmem>>, vector<1x16xi32>,
      %get3A_749 = vector.shape_cast %get3A_748 : vector<1x16xi32> to vector<16xi32>
      %mul3A_750 = arith.constant 248 : i32
      %mul3A_751 = arith.muli %mul3A_750, %add3A : i32
      %add3A_752 = arith.constant 120 : i32
      %add3A_753 = arith.addi %add3A_752, %mul3A_751 : i32
      %add3A_754 = vector.broadcast %add3A_753 : i32 to vector<16xi32>
      %add3A_755 = arith.addi %get3A_749, %add3A_754 : vector<16xi32>
      %swap3A_756 = arith.constant 4 : i32
      %swap3A_757 = arith.index_cast %swap3A_756 : i32 to index
      %swap3A_758 = arith.constant 96 : index
      %swap3A_759 = tpu.vector_load %arg6[%swap3A_757, %swap3A_758] {strides = array<i32>} : memref<5x128xi32, #tpu.memory_space<vmem>>, vector<1x16xi32>,
      %swap3A_760 = vector.shape_cast %swap3A_759 : vector<1x16xi32> to vector<16xi32>
      %swap3A_761 = vector.shape_cast %add3A_755 : vector<16xi32> to vector<1x16xi32>
      tpu.vector_store %arg6[%swap3A_757, %swap3A_758], %swap3A_761 {strides = array<i32>} : memref<5x128xi32, #tpu.memory_space<vmem>>, vector<1x16xi32>,
      %get3A_762 = arith.constant 4 : i32
      %get3A_763 = arith.index_cast %get3A_762 : i32 to index
      %get3A_764 = arith.constant 112 : index
      %get3A_765 = tpu.vector_load %arg5[%get3A_763, %get3A_764] {strides = array<i32>} : memref<5x128xi32, #tpu.memory_space<vmem>>, vector<1x16xi32>,
      %get3A_766 = vector.shape_cast %get3A_765 : vector<1x16xi32> to vector<16xi32>
      %mul3A_767 = arith.constant 248 : i32
      %mul3A_768 = arith.muli %mul3A_767, %add3A : i32
      %add3A_769 = arith.constant 120 : i32
      %add3A_770 = arith.addi %add3A_769, %mul3A_768 : i32
      %add3A_771 = vector.broadcast %add3A_770 : i32 to vector<16xi32>
      %add3A_772 = arith.addi %get3A_766, %add3A_771 : vector<16xi32>
      %swap3A_773 = arith.constant 4 : i32
      %swap3A_774 = arith.index_cast %swap3A_773 : i32 to index
      %swap3A_775 = arith.constant 112 : index
      %swap3A_776 = tpu.vector_load %arg6[%swap3A_774, %swap3A_775] {strides = array<i32>} : memref<5x128xi32, #tpu.memory_space<vmem>>, vector<1x16xi32>,
      %swap3A_777 = vector.shape_cast %swap3A_776 : vector<1x16xi32> to vector<16xi32>
      %swap3A_778 = vector.shape_cast %add3A_772 : vector<16xi32> to vector<1x16xi32>
      tpu.vector_store %arg6[%swap3A_774, %swap3A_775], %swap3A_778 {strides = array<i32>} : memref<5x128xi32, #tpu.memory_space<vmem>>, vector<1x16xi32>,
      %dma_start3A = arith.constant 0 : i32
      %dma_start3A_779 = arith.constant 0 : i32
      %dma_start3A_780 = tpu.memref_slice %arg6[%dma_start3A, %dma_start3A_779] : memref<5x128xi32, #tpu.memory_space<vmem>> -> memref<1x128xi32, #tpu.memory_space<vmem>>
      %dma_start3A_781 = tpu.memref_squeeze %dma_start3A_780 : memref<1x128xi32, #tpu.memory_space<vmem>> -> memref<128xi32, #tpu.memory_space<vmem>>
      %dma_start3A_782 = arith.constant 0 : i32
      %dma_start3A_783 = arith.constant 0 : i32
      %dma_start3A_784 = tpu.memref_slice %arg2[%dma_start3A_782, %dma_start3A_783] : memref<7936x128xf32, #tpu.memory_space<hbm>> -> memref<7936x128xf32, #tpu.memory_space<hbm>>
      tpu.enqueue_indirect_dma source(%dma_start3A_784 : memref<7936x128xf32, #tpu.memory_space<hbm>>) target(%arg8 : memref<128x128xf32, #tpu.memory_space<vmem>>) offsets(%dma_start3A_781 : memref<128xi32, #tpu.memory_space<vmem>>) semaphore(%arg11 : memref<!tpu.dma_semaphore, #tpu.memory_space<semaphore_mem>>)
      %dma_wait3A = arith.constant 0 : i32
      %dma_wait3A_785 = arith.constant 0 : i32
      %dma_wait3A_786 = tpu.memref_slice %arg6[%dma_wait3A, %dma_wait3A_785] : memref<5x128xi32, #tpu.memory_space<vmem>> -> memref<1x128xi32, #tpu.memory_space<vmem>>
      %dma_wait3A_787 = tpu.memref_squeeze %dma_wait3A_786 : memref<1x128xi32, #tpu.memory_space<vmem>> -> memref<128xi32, #tpu.memory_space<vmem>>
      %dma_wait3A_788 = arith.constant 0 : i32
      %dma_wait3A_789 = arith.constant 0 : i32
      %dma_wait3A_790 = tpu.memref_slice %arg2[%dma_wait3A_788, %dma_wait3A_789] : memref<7936x128xf32, #tpu.memory_space<hbm>> -> memref<7936x128xf32, #tpu.memory_space<hbm>>
      tpu.wait_indirect_dma semaphore(%arg11 : memref<!tpu.dma_semaphore, #tpu.memory_space<semaphore_mem>>) src(%dma_wait3A_790 : memref<7936x128xf32, #tpu.memory_space<hbm>>) dst(%arg8 : memref<128x128xf32, #tpu.memory_space<vmem>>)
      %dma_start3A_791 = arith.constant 1 : i32
      %dma_start3A_792 = arith.constant 0 : i32
      %dma_start3A_793 = tpu.memref_slice %arg6[%dma_start3A_791, %dma_start3A_792] : memref<5x128xi32, #tpu.memory_space<vmem>> -> memref<1x128xi32, #tpu.memory_space<vmem>>
      %dma_start3A_794 = tpu.memref_squeeze %dma_start3A_793 : memref<1x128xi32, #tpu.memory_space<vmem>> -> memref<128xi32, #tpu.memory_space<vmem>>
      %dma_start3A_795 = arith.constant 0 : i32
      %dma_start3A_796 = arith.constant 0 : i32
      %dma_start3A_797 = tpu.memref_slice %arg2[%dma_start3A_795, %dma_start3A_796] : memref<7936x128xf32, #tpu.memory_space<hbm>> -> memref<7936x128xf32, #tpu.memory_space<hbm>>
      tpu.enqueue_indirect_dma source(%dma_start3A_797 : memref<7936x128xf32, #tpu.memory_space<hbm>>) target(%arg9 : memref<128x128xf32, #tpu.memory_space<vmem>>) offsets(%dma_start3A_794 : memref<128xi32, #tpu.memory_space<vmem>>) semaphore(%arg11 : memref<!tpu.dma_semaphore, #tpu.memory_space<semaphore_mem>>)
      %dma_start3A_798 = arith.constant 0 : i32
      %dma_start3A_799 = arith.constant 0 : i32
      %dma_start3A_800 = tpu.memref_slice %arg10[%dma_start3A_798, %dma_start3A_799] : memref<2048x128xf32, #tpu.memory_space<vmem_shared>> -> memref<2048x128xf32, #tpu.memory_space<vmem_shared>>
      tpu.enqueue_indirect_dma source(%arg8 : memref<128x128xf32, #tpu.memory_space<vmem>>) target(%dma_start3A_800 : memref<2048x128xf32, #tpu.memory_space<vmem_shared>>) offsets(%arg7 : memref<128xi32, #tpu.memory_space<vmem>>) semaphore(%arg12 : memref<!tpu.dma_semaphore, #tpu.memory_space<semaphore_mem>>)
      %dma_wait3A_801 = arith.constant 0 : i32
      %dma_wait3A_802 = arith.constant 0 : i32
      %dma_wait3A_803 = tpu.memref_slice %arg10[%dma_wait3A_801, %dma_wait3A_802] : memref<2048x128xf32, #tpu.memory_space<vmem_shared>> -> memref<2048x128xf32, #tpu.memory_space<vmem_shared>>
      tpu.wait_indirect_dma semaphore(%arg12 : memref<!tpu.dma_semaphore, #tpu.memory_space<semaphore_mem>>) src(%arg8 : memref<128x128xf32, #tpu.memory_space<vmem>>) dst(%dma_wait3A_803 : memref<2048x128xf32, #tpu.memory_space<vmem_shared>>)
      %dma_wait3A_804 = arith.constant 1 : i32
      %dma_wait3A_805 = arith.constant 0 : i32
      %dma_wait3A_806 = tpu.memref_slice %arg6[%dma_wait3A_804, %dma_wait3A_805] : memref<5x128xi32, #tpu.memory_space<vmem>> -> memref<1x128xi32, #tpu.memory_space<vmem>>
      %dma_wait3A_807 = tpu.memref_squeeze %dma_wait3A_806 : memref<1x128xi32, #tpu.memory_space<vmem>> -> memref<128xi32, #tpu.memory_space<vmem>>
      %dma_wait3A_808 = arith.constant 0 : i32
      %dma_wait3A_809 = arith.constant 0 : i32
      %dma_wait3A_810 = tpu.memref_slice %arg2[%dma_wait3A_808, %dma_wait3A_809] : memref<7936x128xf32, #tpu.memory_space<hbm>> -> memref<7936x128xf32, #tpu.memory_space<hbm>>
      tpu.wait_indirect_dma semaphore(%arg11 : memref<!tpu.dma_semaphore, #tpu.memory_space<semaphore_mem>>) src(%dma_wait3A_810 : memref<7936x128xf32, #tpu.memory_space<hbm>>) dst(%arg9 : memref<128x128xf32, #tpu.memory_space<vmem>>)
      %dma_start3A_811 = arith.constant 2 : i32
      %dma_start3A_812 = arith.constant 0 : i32
      %dma_start3A_813 = tpu.memref_slice %arg6[%dma_start3A_811, %dma_start3A_812] : memref<5x128xi32, #tpu.memory_space<vmem>> -> memref<1x128xi32, #tpu.memory_space<vmem>>
      %dma_start3A_814 = tpu.memref_squeeze %dma_start3A_813 : memref<1x128xi32, #tpu.memory_space<vmem>> -> memref<128xi32, #tpu.memory_space<vmem>>
      %dma_start3A_815 = arith.constant 0 : i32
      %dma_start3A_816 = arith.constant 0 : i32
      %dma_start3A_817 = tpu.memref_slice %arg2[%dma_start3A_815, %dma_start3A_816] : memref<7936x128xf32, #tpu.memory_space<hbm>> -> memref<7936x128xf32, #tpu.memory_space<hbm>>
      tpu.enqueue_indirect_dma source(%dma_start3A_817 : memref<7936x128xf32, #tpu.memory_space<hbm>>) target(%arg8 : memref<128x128xf32, #tpu.memory_space<vmem>>) offsets(%dma_start3A_814 : memref<128xi32, #tpu.memory_space<vmem>>) semaphore(%arg11 : memref<!tpu.dma_semaphore, #tpu.memory_space<semaphore_mem>>)
      %dma_start3A_818 = arith.constant 0 : i32
      %dma_start3A_819 = arith.constant 0 : i32
      %dma_start3A_820 = tpu.memref_slice %arg10[%dma_start3A_818, %dma_start3A_819] : memref<2048x128xf32, #tpu.memory_space<vmem_shared>> -> memref<2048x128xf32, #tpu.memory_space<vmem_shared>>
      tpu.enqueue_indirect_dma source(%arg9 : memref<128x128xf32, #tpu.memory_space<vmem>>) target(%dma_start3A_820 : memref<2048x128xf32, #tpu.memory_space<vmem_shared>>) offsets(%arg7 : memref<128xi32, #tpu.memory_space<vmem>>) semaphore(%arg12 : memref<!tpu.dma_semaphore, #tpu.memory_space<semaphore_mem>>) {add = true}
      %dma_wait3A_821 = arith.constant 0 : i32
      %dma_wait3A_822 = arith.constant 0 : i32
      %dma_wait3A_823 = tpu.memref_slice %arg10[%dma_wait3A_821, %dma_wait3A_822] : memref<2048x128xf32, #tpu.memory_space<vmem_shared>> -> memref<2048x128xf32, #tpu.memory_space<vmem_shared>>
      tpu.wait_indirect_dma semaphore(%arg12 : memref<!tpu.dma_semaphore, #tpu.memory_space<semaphore_mem>>) src(%arg9 : memref<128x128xf32, #tpu.memory_space<vmem>>) dst(%dma_wait3A_823 : memref<2048x128xf32, #tpu.memory_space<vmem_shared>>)
      %dma_wait3A_824 = arith.constant 2 : i32
      %dma_wait3A_825 = arith.constant 0 : i32
      %dma_wait3A_826 = tpu.memref_slice %arg6[%dma_wait3A_824, %dma_wait3A_825] : memref<5x128xi32, #tpu.memory_space<vmem>> -> memref<1x128xi32, #tpu.memory_space<vmem>>
      %dma_wait3A_827 = tpu.memref_squeeze %dma_wait3A_826 : memref<1x128xi32, #tpu.memory_space<vmem>> -> memref<128xi32, #tpu.memory_space<vmem>>
      %dma_wait3A_828 = arith.constant 0 : i32
      %dma_wait3A_829 = arith.constant 0 : i32
      %dma_wait3A_830 = tpu.memref_slice %arg2[%dma_wait3A_828, %dma_wait3A_829] : memref<7936x128xf32, #tpu.memory_space<hbm>> -> memref<7936x128xf32, #tpu.memory_space<hbm>>
      tpu.wait_indirect_dma semaphore(%arg11 : memref<!tpu.dma_semaphore, #tpu.memory_space<semaphore_mem>>) src(%dma_wait3A_830 : memref<7936x128xf32, #tpu.memory_space<hbm>>) dst(%arg8 : memref<128x128xf32, #tpu.memory_space<vmem>>)
      %dma_start3A_831 = arith.constant 3 : i32
      %dma_start3A_832 = arith.constant 0 : i32
      %dma_start3A_833 = tpu.memref_slice %arg6[%dma_start3A_831, %dma_start3A_832] : memref<5x128xi32, #tpu.memory_space<vmem>> -> memref<1x128xi32, #tpu.memory_space<vmem>>
      %dma_start3A_834 = tpu.memref_squeeze %dma_start3A_833 : memref<1x128xi32, #tpu.memory_space<vmem>> -> memref<128xi32, #tpu.memory_space<vmem>>
      %dma_start3A_835 = arith.constant 0 : i32
      %dma_start3A_836 = arith.constant 0 : i32
      %dma_start3A_837 = tpu.memref_slice %arg2[%dma_start3A_835, %dma_start3A_836] : memref<7936x128xf32, #tpu.memory_space<hbm>> -> memref<7936x128xf32, #tpu.memory_space<hbm>>
      tpu.enqueue_indirect_dma source(%dma_start3A_837 : memref<7936x128xf32, #tpu.memory_space<hbm>>) target(%arg9 : memref<128x128xf32, #tpu.memory_space<vmem>>) offsets(%dma_start3A_834 : memref<128xi32, #tpu.memory_space<vmem>>) semaphore(%arg11 : memref<!tpu.dma_semaphore, #tpu.memory_space<semaphore_mem>>)
      %dma_start3A_838 = arith.constant 0 : i32
      %dma_start3A_839 = arith.constant 0 : i32
      %dma_start3A_840 = tpu.memref_slice %arg10[%dma_start3A_838, %dma_start3A_839] : memref<2048x128xf32, #tpu.memory_space<vmem_shared>> -> memref<2048x128xf32, #tpu.memory_space<vmem_shared>>
      tpu.enqueue_indirect_dma source(%arg8 : memref<128x128xf32, #tpu.memory_space<vmem>>) target(%dma_start3A_840 : memref<2048x128xf32, #tpu.memory_space<vmem_shared>>) offsets(%arg7 : memref<128xi32, #tpu.memory_space<vmem>>) semaphore(%arg12 : memref<!tpu.dma_semaphore, #tpu.memory_space<semaphore_mem>>) {add = true}
      %dma_wait3A_841 = arith.constant 0 : i32
      %dma_wait3A_842 = arith.constant 0 : i32
      %dma_wait3A_843 = tpu.memref_slice %arg10[%dma_wait3A_841, %dma_wait3A_842] : memref<2048x128xf32, #tpu.memory_space<vmem_shared>> -> memref<2048x128xf32, #tpu.memory_space<vmem_shared>>
      tpu.wait_indirect_dma semaphore(%arg12 : memref<!tpu.dma_semaphore, #tpu.memory_space<semaphore_mem>>) src(%arg8 : memref<128x128xf32, #tpu.memory_space<vmem>>) dst(%dma_wait3A_843 : memref<2048x128xf32, #tpu.memory_space<vmem_shared>>)
      %dma_wait3A_844 = arith.constant 3 : i32
      %dma_wait3A_845 = arith.constant 0 : i32
      %dma_wait3A_846 = tpu.memref_slice %arg6[%dma_wait3A_844, %dma_wait3A_845] : memref<5x128xi32, #tpu.memory_space<vmem>> -> memref<1x128xi32, #tpu.memory_space<vmem>>
      %dma_wait3A_847 = tpu.memref_squeeze %dma_wait3A_846 : memref<1x128xi32, #tpu.memory_space<vmem>> -> memref<128xi32, #tpu.memory_space<vmem>>
      %dma_wait3A_848 = arith.constant 0 : i32
      %dma_wait3A_849 = arith.constant 0 : i32
      %dma_wait3A_850 = tpu.memref_slice %arg2[%dma_wait3A_848, %dma_wait3A_849] : memref<7936x128xf32, #tpu.memory_space<hbm>> -> memref<7936x128xf32, #tpu.memory_space<hbm>>
      tpu.wait_indirect_dma semaphore(%arg11 : memref<!tpu.dma_semaphore, #tpu.memory_space<semaphore_mem>>) src(%dma_wait3A_850 : memref<7936x128xf32, #tpu.memory_space<hbm>>) dst(%arg9 : memref<128x128xf32, #tpu.memory_space<vmem>>)
      %dma_start3A_851 = arith.constant 4 : i32
      %dma_start3A_852 = arith.constant 0 : i32
      %dma_start3A_853 = tpu.memref_slice %arg6[%dma_start3A_851, %dma_start3A_852] : memref<5x128xi32, #tpu.memory_space<vmem>> -> memref<1x128xi32, #tpu.memory_space<vmem>>
      %dma_start3A_854 = tpu.memref_squeeze %dma_start3A_853 : memref<1x128xi32, #tpu.memory_space<vmem>> -> memref<128xi32, #tpu.memory_space<vmem>>
      %dma_start3A_855 = arith.constant 0 : i32
      %dma_start3A_856 = arith.constant 0 : i32
      %dma_start3A_857 = tpu.memref_slice %arg2[%dma_start3A_855, %dma_start3A_856] : memref<7936x128xf32, #tpu.memory_space<hbm>> -> memref<7936x128xf32, #tpu.memory_space<hbm>>
      tpu.enqueue_indirect_dma source(%dma_start3A_857 : memref<7936x128xf32, #tpu.memory_space<hbm>>) target(%arg8 : memref<128x128xf32, #tpu.memory_space<vmem>>) offsets(%dma_start3A_854 : memref<128xi32, #tpu.memory_space<vmem>>) semaphore(%arg11 : memref<!tpu.dma_semaphore, #tpu.memory_space<semaphore_mem>>)
      %dma_start3A_858 = arith.constant 0 : i32
      %dma_start3A_859 = arith.constant 0 : i32
      %dma_start3A_860 = tpu.memref_slice %arg10[%dma_start3A_858, %dma_start3A_859] : memref<2048x128xf32, #tpu.memory_space<vmem_shared>> -> memref<2048x128xf32, #tpu.memory_space<vmem_shared>>
      tpu.enqueue_indirect_dma source(%arg9 : memref<128x128xf32, #tpu.memory_space<vmem>>) target(%dma_start3A_860 : memref<2048x128xf32, #tpu.memory_space<vmem_shared>>) offsets(%arg7 : memref<128xi32, #tpu.memory_space<vmem>>) semaphore(%arg12 : memref<!tpu.dma_semaphore, #tpu.memory_space<semaphore_mem>>) {add = true}
      %dma_wait3A_861 = arith.constant 0 : i32
      %dma_wait3A_862 = arith.constant 0 : i32
      %dma_wait3A_863 = tpu.memref_slice %arg10[%dma_wait3A_861, %dma_wait3A_862] : memref<2048x128xf32, #tpu.memory_space<vmem_shared>> -> memref<2048x128xf32, #tpu.memory_space<vmem_shared>>
      tpu.wait_indirect_dma semaphore(%arg12 : memref<!tpu.dma_semaphore, #tpu.memory_space<semaphore_mem>>) src(%arg9 : memref<128x128xf32, #tpu.memory_space<vmem>>) dst(%dma_wait3A_863 : memref<2048x128xf32, #tpu.memory_space<vmem_shared>>)
      %dma_wait3A_864 = arith.constant 4 : i32
      %dma_wait3A_865 = arith.constant 0 : i32
      %dma_wait3A_866 = tpu.memref_slice %arg6[%dma_wait3A_864, %dma_wait3A_865] : memref<5x128xi32, #tpu.memory_space<vmem>> -> memref<1x128xi32, #tpu.memory_space<vmem>>
      %dma_wait3A_867 = tpu.memref_squeeze %dma_wait3A_866 : memref<1x128xi32, #tpu.memory_space<vmem>> -> memref<128xi32, #tpu.memory_space<vmem>>
      %dma_wait3A_868 = arith.constant 0 : i32
      %dma_wait3A_869 = arith.constant 0 : i32
      %dma_wait3A_870 = tpu.memref_slice %arg2[%dma_wait3A_868, %dma_wait3A_869] : memref<7936x128xf32, #tpu.memory_space<hbm>> -> memref<7936x128xf32, #tpu.memory_space<hbm>>
      tpu.wait_indirect_dma semaphore(%arg11 : memref<!tpu.dma_semaphore, #tpu.memory_space<semaphore_mem>>) src(%dma_wait3A_870 : memref<7936x128xf32, #tpu.memory_space<hbm>>) dst(%arg8 : memref<128x128xf32, #tpu.memory_space<vmem>>)
      %dma_start3A_871 = arith.constant 0 : i32
      %dma_start3A_872 = arith.constant 0 : i32
      %dma_start3A_873 = tpu.memref_slice %arg10[%dma_start3A_871, %dma_start3A_872] : memref<2048x128xf32, #tpu.memory_space<vmem_shared>> -> memref<2048x128xf32, #tpu.memory_space<vmem_shared>>
      tpu.enqueue_indirect_dma source(%arg8 : memref<128x128xf32, #tpu.memory_space<vmem>>) target(%dma_start3A_873 : memref<2048x128xf32, #tpu.memory_space<vmem_shared>>) offsets(%arg7 : memref<128xi32, #tpu.memory_space<vmem>>) semaphore(%arg12 : memref<!tpu.dma_semaphore, #tpu.memory_space<semaphore_mem>>) {add = true}
      %dma_wait3A_874 = arith.constant 0 : i32
      %dma_wait3A_875 = arith.constant 0 : i32
      %dma_wait3A_876 = tpu.memref_slice %arg10[%dma_wait3A_874, %dma_wait3A_875] : memref<2048x128xf32, #tpu.memory_space<vmem_shared>> -> memref<2048x128xf32, #tpu.memory_space<vmem_shared>>
      tpu.wait_indirect_dma semaphore(%arg12 : memref<!tpu.dma_semaphore, #tpu.memory_space<semaphore_mem>>) src(%arg8 : memref<128x128xf32, #tpu.memory_space<vmem>>) dst(%dma_wait3A_876 : memref<2048x128xf32, #tpu.memory_space<vmem_shared>>)
      %mul3A_877 = arith.constant 4096 : i32
      %mul3A_878 = arith.muli %add3A, %mul3A_877 : i32
      %mul3A_879 = arith.constant 128 : i32
      %mul3A_880 = arith.muli %scan3A_99, %mul3A_879 : i32
      %add3A_881 = arith.addi %mul3A_878, %mul3A_880 : i32
      %mul3A_882 = arith.constant 128 : i32
      %mul3A_883 = arith.muli %arg1, %mul3A_882 : i32
      "tpu.region"() ({
        %run_scoped3A = tpu.sem_alloc : memref<!tpu.dma_semaphore, #tpu.memory_space<semaphore_mem>>
        %dma_start3A_884 = arith.constant 0 : i32
        %dma_start3A_885 = tpu.memref_slice %arg4[%add3A_881, %dma_start3A_884] : memref<131072x128xf32, #tpu.memory_space<hbm>> -> memref<128x128xf32, #tpu.memory_space<hbm>>
        %dma_start3A_886 = arith.constant 0 : i32
        %dma_start3A_887 = tpu.memref_slice %arg10[%mul3A_883, %dma_start3A_886] : memref<2048x128xf32, #tpu.memory_space<vmem_shared>> -> memref<128x128xf32, #tpu.memory_space<vmem_shared>>
        tpu.enqueue_dma source(%dma_start3A_887 : memref<128x128xf32, #tpu.memory_space<vmem_shared>>) target(%dma_start3A_885 : memref<128x128xf32, #tpu.memory_space<hbm>>) target_semaphore(%run_scoped3A : memref<!tpu.dma_semaphore, #tpu.memory_space<semaphore_mem>>)
        %dma_wait3A_888 = arith.constant 0 : i32
        %dma_wait3A_889 = tpu.memref_slice %arg4[%add3A_881, %dma_wait3A_888] : memref<131072x128xf32, #tpu.memory_space<hbm>> -> memref<128x128xf32, #tpu.memory_space<hbm>>
        %dma_wait3A_890 = arith.constant 0 : i32
        %dma_wait3A_891 = tpu.memref_slice %arg10[%mul3A_883, %dma_wait3A_890] : memref<2048x128xf32, #tpu.memory_space<vmem_shared>> -> memref<128x128xf32, #tpu.memory_space<vmem_shared>>
        tpu.wait_dma2 semaphore(%run_scoped3A : memref<!tpu.dma_semaphore, #tpu.memory_space<semaphore_mem>>) src(%dma_wait3A_891 : memref<128x128xf32, #tpu.memory_space<vmem_shared>>) dst(%dma_wait3A_889 : memref<128x128xf32, #tpu.memory_space<hbm>>)
        tpu.yield
      }) : () -> ()
    }
    %scan3A_98 = arith.constant 32 : i32
    return
  }
}

module attributes {stable_mosaic.version = 14 : i64} {
  func.func @_tc_body(%arg0: i32, %arg1: i32, %arg2: memref<1x64x128x128xf32, #tpu.memory_space<vmem>>, %arg3: memref<1x64x128x8xf32, #tpu.memory_space<vmem>>, %arg4: memref<8x128xf32, #tpu.memory_space<vmem>>, %arg5: memref<6x128xf32, #tpu.memory_space<vmem>>, %arg6: memref<1x64x128x128xf32, #tpu.memory_space<vmem>>) attributes {dimension_semantics = [#tpu.dimension_semantics<arbitrary>, #tpu.dimension_semantics<arbitrary>], iteration_bounds = array<i64: 8, 2>, scalar_prefetch = 0 : i64, scratch_operands = 0 : i64, tpu.core_type = #tpu.core_type<tc>, window_params = [{transform_indices = @transform_0, window_bounds = array<i64: 1, 64, 128, 128>}, {transform_indices = @transform_1, window_bounds = array<i64: 1, 64, 128, 8>}, {pipeline_mode = #tpu.pipeline_mode<synchronous>, transform_indices = @transform_2, window_bounds = array<i64: 8, 128>}, {pipeline_mode = #tpu.pipeline_mode<synchronous>, transform_indices = @transform_3, window_bounds = array<i64: 6, 128>}, {transform_indices = @transform_4, window_bounds = array<i64: 1, 64, 128, 128>}]} {
    %get3A = arith.constant 0 : index
    %get3A_0 = arith.constant 0 : index
    %get3A_1 = vector.load %arg4[%get3A, %get3A_0] : memref<8x128xf32, #tpu.memory_space<vmem>>, vector<8x128xf32>
    %get3A_2 = arith.constant 0 : index
    %get3A_3 = arith.constant 0 : index
    %get3A_4 = vector.load %arg4[%get3A_2, %get3A_3] : memref<8x128xf32, #tpu.memory_space<vmem>>, vector<8x128xf32>
    %reduce_sum3A = arith.constant dense<0.000000e+00> : vector<8xf32>
    %reduce_sum3A_5 = vector.multi_reduction <add>, %get3A_4, %reduce_sum3A [1] : vector<8x128xf32> to vector<8xf32>
    %broadcast_in_dim3A = vector.shape_cast %reduce_sum3A_5 : vector<8xf32> to vector<8x1xf32>
    %div3A = arith.constant 1.280000e+02 : f32
    %div3A_6 = vector.broadcast %div3A : f32 to vector<8x1xf32>
    %div3A_7 = arith.divf %broadcast_in_dim3A, %div3A_6 : vector<8x1xf32>
    %sub3A = vector.broadcast %div3A_7 : vector<8x1xf32> to vector<8x128xf32>
    %sub3A_8 = arith.subf %get3A_1, %sub3A : vector<8x128xf32>
    %get3A_9 = arith.constant 2 : index
    %get3A_10 = arith.constant 0 : index
    %get3A_11 = vector.load %arg5[%get3A_9, %get3A_10] : memref<6x128xf32, #tpu.memory_space<vmem>>, vector<1x128xf32>
    %get3A_12 = vector.shape_cast %get3A_11 : vector<1x128xf32> to vector<128xf32>
    %get3A_13 = arith.constant 2 : index
    %get3A_14 = arith.constant 0 : index
    %get3A_15 = vector.load %arg5[%get3A_13, %get3A_14] : memref<6x128xf32, #tpu.memory_space<vmem>>, vector<1x128xf32>
    %get3A_16 = vector.shape_cast %get3A_15 : vector<1x128xf32> to vector<128xf32>
    %reduce_sum3A_17 = vector.shape_cast %get3A_16 : vector<128xf32> to vector<1x128xf32>
    %reduce_sum3A_18 = arith.constant dense<0.000000e+00> : vector<1xf32>
    %reduce_sum3A_19 = vector.multi_reduction <add>, %reduce_sum3A_17, %reduce_sum3A_18 [1] : vector<1x128xf32> to vector<1xf32>
    %reduce_sum3A_20 = vector.shape_cast %reduce_sum3A_19 : vector<1xf32> to vector<1x1xf32>
    %reduce_sum3A_21 = vector.extract %reduce_sum3A_20[0, 0] : f32 from vector<1x1xf32>
    %div3A_22 = arith.constant 1.280000e+02 : f32
    %div3A_23 = arith.divf %reduce_sum3A_21, %div3A_22 : f32
    %sub3A_24 = vector.broadcast %div3A_23 : f32 to vector<128xf32>
    %sub3A_25 = arith.subf %get3A_12, %sub3A_24 : vector<128xf32>
    %broadcast_in_dim3A_26 = arith.constant 1.000000e+00 : f32
    %broadcast_in_dim3A_27 = vector.broadcast %broadcast_in_dim3A_26 : f32 to vector<128x128xf32>
    %get3A_28 = arith.constant 0 : index
    %get3A_29 = arith.constant 0 : index
    %get3A_30 = arith.constant 0 : index
    %get3A_31 = arith.constant 0 : index
    %get3A_32 = vector.load %arg2[%get3A_28, %get3A_29, %get3A_30, %get3A_31] : memref<1x64x128x128xf32, #tpu.memory_space<vmem>>, vector<1x64x128x128xf32>
    %get3A_33 = vector.shape_cast %get3A_32 : vector<1x64x128x128xf32> to vector<64x128x128xf32>
    %reshape3A = vector.shape_cast %get3A_33 : vector<64x128x128xf32> to vector<8192x128xf32>
    %dot_general3A = arith.constant dense<0.000000e+00> : vector<8192x128xf32>
    %dot_general3A_34 = tpu.matmul %reshape3A, %broadcast_in_dim3A_27, %dot_general3A {dimension_numbers = #tpu.dot_dimension_numbers<[1], [0], [0], [1], [0, 0, 1, 1], [], []>, transpose_lhs_hint = false} : vector<8192x128xf32>, vector<128x128xf32>, vector<8192x128xf32> -> vector<8192x128xf32>
    %mul3A = arith.constant 7.812500e-03 : f32
    %mul3A_35 = vector.broadcast %mul3A : f32 to vector<8192x128xf32>
    %mul3A_36 = arith.mulf %dot_general3A_34, %mul3A_35 : vector<8192x128xf32>
    %sub3A_37 = arith.subf %reshape3A, %mul3A_36 : vector<8192x128xf32>
    %mul3A_38 = arith.mulf %sub3A_37, %sub3A_37 : vector<8192x128xf32>
    %dot_general3A_39 = arith.constant dense<0.000000e+00> : vector<8192x128xf32>
    %dot_general3A_40 = tpu.matmul %mul3A_38, %broadcast_in_dim3A_27, %dot_general3A_39 {dimension_numbers = #tpu.dot_dimension_numbers<[1], [0], [0], [1], [0, 0, 1, 1], [], []>, transpose_lhs_hint = false} : vector<8192x128xf32>, vector<128x128xf32>, vector<8192x128xf32> -> vector<8192x128xf32>
    %mul3A_41 = arith.constant 7.812500e-03 : f32
    %mul3A_42 = vector.broadcast %mul3A_41 : f32 to vector<8192x128xf32>
    %mul3A_43 = arith.mulf %dot_general3A_40, %mul3A_42 : vector<8192x128xf32>
    %add3A = arith.constant 9.99999974E-6 : f32
    %add3A_44 = vector.broadcast %add3A : f32 to vector<8192x128xf32>
    %add3A_45 = arith.addf %mul3A_43, %add3A_44 : vector<8192x128xf32>
    %rsqrt3A = math.rsqrt %add3A_45 : vector<8192x128xf32>
    %get3A_46 = arith.constant 0 : index
    %get3A_47 = arith.constant 0 : index
    %get3A_48 = vector.load %arg5[%get3A_46, %get3A_47] : memref<6x128xf32, #tpu.memory_space<vmem>>, vector<1x128xf32>
    %get3A_49 = vector.shape_cast %get3A_48 : vector<1x128xf32> to vector<128xf32>
    %broadcast_in_dim3A_50 = vector.shape_cast %get3A_49 : vector<128xf32> to vector<1x128xf32>
    %mul3A_51 = vector.broadcast %broadcast_in_dim3A_50 : vector<1x128xf32> to vector<8192x128xf32>
    %mul3A_52 = arith.mulf %rsqrt3A, %mul3A_51 : vector<8192x128xf32>
    %mul3A_53 = arith.mulf %sub3A_37, %mul3A_52 : vector<8192x128xf32>
    %get3A_54 = arith.constant 1 : index
    %get3A_55 = arith.constant 0 : index
    %get3A_56 = vector.load %arg5[%get3A_54, %get3A_55] : memref<6x128xf32, #tpu.memory_space<vmem>>, vector<1x128xf32>
    %get3A_57 = vector.shape_cast %get3A_56 : vector<1x128xf32> to vector<128xf32>
    %broadcast_in_dim3A_58 = vector.shape_cast %get3A_57 : vector<128xf32> to vector<1x128xf32>
    %add3A_59 = vector.broadcast %broadcast_in_dim3A_58 : vector<1x128xf32> to vector<8192x128xf32>
    %add3A_60 = arith.addf %mul3A_53, %add3A_59 : vector<8192x128xf32>
    %get3A_61 = arith.constant 0 : index
    %get3A_62 = arith.constant 0 : index
    %get3A_63 = arith.constant 0 : index
    %get3A_64 = arith.constant 0 : index
    %get3A_65 = vector.load %arg3[%get3A_61, %get3A_62, %get3A_63, %get3A_64] : memref<1x64x128x8xf32, #tpu.memory_space<vmem>>, vector<1x64x128x8xf32>
    %get3A_66 = vector.shape_cast %get3A_65 : vector<1x64x128x8xf32> to vector<64x128x8xf32>
    %reshape3A_67 = vector.shape_cast %get3A_66 : vector<64x128x8xf32> to vector<8192x8xf32>
    %dot_general3A_68 = arith.constant dense<0.000000e+00> : vector<8192x128xf32>
    %dot_general3A_69 = tpu.matmul %reshape3A_67, %sub3A_8, %dot_general3A_68 {dimension_numbers = #tpu.dot_dimension_numbers<[1], [0], [0], [1], [0, 0, 1, 1], [], []>, transpose_lhs_hint = false} : vector<8192x8xf32>, vector<8x128xf32>, vector<8192x128xf32> -> vector<8192x128xf32>
    %broadcast_in_dim3A_70 = vector.shape_cast %sub3A_25 : vector<128xf32> to vector<1x128xf32>
    %add3A_71 = vector.broadcast %broadcast_in_dim3A_70 : vector<1x128xf32> to vector<8192x128xf32>
    %add3A_72 = arith.addf %dot_general3A_69, %add3A_71 : vector<8192x128xf32>
    %mul3A_73 = arith.mulf %add3A_72, %add3A_72 : vector<8192x128xf32>
    %dot_general3A_74 = arith.constant dense<0.000000e+00> : vector<8192x128xf32>
    %dot_general3A_75 = tpu.matmul %mul3A_73, %broadcast_in_dim3A_27, %dot_general3A_74 {dimension_numbers = #tpu.dot_dimension_numbers<[1], [0], [0], [1], [0, 0, 1, 1], [], []>, transpose_lhs_hint = false} : vector<8192x128xf32>, vector<128x128xf32>, vector<8192x128xf32> -> vector<8192x128xf32>
    %mul3A_76 = arith.constant 7.812500e-03 : f32
    %mul3A_77 = vector.broadcast %mul3A_76 : f32 to vector<8192x128xf32>
    %mul3A_78 = arith.mulf %dot_general3A_75, %mul3A_77 : vector<8192x128xf32>
    %add3A_79 = arith.constant 9.99999974E-6 : f32
    %add3A_80 = vector.broadcast %add3A_79 : f32 to vector<8192x128xf32>
    %add3A_81 = arith.addf %mul3A_78, %add3A_80 : vector<8192x128xf32>
    %rsqrt3A_82 = math.rsqrt %add3A_81 : vector<8192x128xf32>
    %get3A_83 = arith.constant 3 : index
    %get3A_84 = arith.constant 0 : index
    %get3A_85 = vector.load %arg5[%get3A_83, %get3A_84] : memref<6x128xf32, #tpu.memory_space<vmem>>, vector<1x128xf32>
    %get3A_86 = vector.shape_cast %get3A_85 : vector<1x128xf32> to vector<128xf32>
    %broadcast_in_dim3A_87 = vector.shape_cast %get3A_86 : vector<128xf32> to vector<1x128xf32>
    %mul3A_88 = vector.broadcast %broadcast_in_dim3A_87 : vector<1x128xf32> to vector<8192x128xf32>
    %mul3A_89 = arith.mulf %rsqrt3A_82, %mul3A_88 : vector<8192x128xf32>
    %mul3A_90 = arith.mulf %add3A_72, %mul3A_89 : vector<8192x128xf32>
    %get3A_91 = arith.constant 4 : index
    %get3A_92 = arith.constant 0 : index
    %get3A_93 = vector.load %arg5[%get3A_91, %get3A_92] : memref<6x128xf32, #tpu.memory_space<vmem>>, vector<1x128xf32>
    %get3A_94 = vector.shape_cast %get3A_93 : vector<1x128xf32> to vector<128xf32>
    %broadcast_in_dim3A_95 = vector.shape_cast %get3A_94 : vector<128xf32> to vector<1x128xf32>
    %add3A_96 = vector.broadcast %broadcast_in_dim3A_95 : vector<1x128xf32> to vector<8192x128xf32>
    %add3A_97 = arith.addf %mul3A_90, %add3A_96 : vector<8192x128xf32>
    %add3A_98 = arith.addf %add3A_60, %add3A_97 : vector<8192x128xf32>
    %reshape3A_99 = vector.shape_cast %add3A_98 : vector<8192x128xf32> to vector<64x128x128xf32>
    %iota3A = tpu.iota {dimensions = array<i32: 0>} : vector<64x128x1xi32>
    %mul3A_100 = arith.constant 64 : i32
    %mul3A_101 = arith.muli %arg1, %mul3A_100 : i32
    %add3A_102 = vector.broadcast %mul3A_101 : i32 to vector<64x128x1xi32>
    %add3A_103 = arith.addi %iota3A, %add3A_102 : vector<64x128x1xi32>
    %iota3A_104 = tpu.iota {dimensions = array<i32: 1>} : vector<64x128x1xi32>
    %eq3A = arith.constant 0 : i32
    %eq3A_105 = vector.broadcast %eq3A : i32 to vector<64x128x1xi32>
    %eq3A_106 = arith.cmpi eq, %add3A_103, %eq3A_105 : vector<64x128x1xi32>
    %eq3A_107 = arith.constant 0 : i32
    %eq3A_108 = vector.broadcast %eq3A_107 : i32 to vector<64x128x1xi32>
    %eq3A_109 = arith.cmpi eq, %iota3A_104, %eq3A_108 : vector<64x128x1xi32>
    %or3A = arith.ori %eq3A_106, %eq3A_109 : vector<64x128x1xi1>
    %get3A_110 = arith.constant 5 : index
    %get3A_111 = arith.constant 0 : index
    %get3A_112 = vector.load %arg5[%get3A_110, %get3A_111] : memref<6x128xf32, #tpu.memory_space<vmem>>, vector<1x128xf32>
    %get3A_113 = vector.shape_cast %get3A_112 : vector<1x128xf32> to vector<128xf32>
    %broadcast_in_dim3A_114 = vector.shape_cast %get3A_113 : vector<128xf32> to vector<1x1x128xf32>
    %broadcast_in_dim3A_115 = vector.shape_cast %or3A : vector<64x128x1xi1> to vector<64x128x1xi1>
    %broadcast_in_dim3A_116 = vector.broadcast %broadcast_in_dim3A_115 : vector<64x128x1xi1> to vector<64x128x128xi1>
    %broadcast_in_dim3A_117 = vector.shape_cast %broadcast_in_dim3A_114 : vector<1x1x128xf32> to vector<1x1x128xf32>
    %broadcast_in_dim3A_118 = vector.broadcast %broadcast_in_dim3A_117 : vector<1x1x128xf32> to vector<64x128x128xf32>
    %select_n3A = arith.select %broadcast_in_dim3A_116, %broadcast_in_dim3A_118, %reshape3A_99 : vector<64x128x128xi1>, vector<64x128x128xf32>
    %swap3A = arith.constant 0 : index
    %swap3A_119 = arith.constant 0 : index
    %swap3A_120 = arith.constant 0 : index
    %swap3A_121 = arith.constant 0 : index
    %swap3A_122 = vector.load %arg6[%swap3A, %swap3A_119, %swap3A_120, %swap3A_121] : memref<1x64x128x128xf32, #tpu.memory_space<vmem>>, vector<1x64x128x128xf32>
    %swap3A_123 = vector.shape_cast %swap3A_122 : vector<1x64x128x128xf32> to vector<64x128x128xf32>
    %swap3A_124 = vector.shape_cast %select_n3A : vector<64x128x128xf32> to vector<1x64x128x128xf32>
    tpu.vector_store %arg6[%swap3A, %swap3A_119, %swap3A_120, %swap3A_121], %swap3A_124 {strides = array<i32>} : memref<1x64x128x128xf32, #tpu.memory_space<vmem>>, vector<1x64x128x128xf32>,
    return
  }
  func.func @transform_0(%arg0: i32, %arg1: i32) -> (i32, i32, i32, i32) {
    %c0_i32 = arith.constant 0 : i32
    %c0_i32_0 = arith.constant 0 : i32
    %c0_i32_1 = arith.constant 0 : i32
    return %arg0, %arg1, %c0_i32, %c0_i32_0 : i32, i32, i32, i32
  }
  func.func @transform_1(%arg0: i32, %arg1: i32) -> (i32, i32, i32, i32) {
    %c0_i32 = arith.constant 0 : i32
    %c0_i32_0 = arith.constant 0 : i32
    %c0_i32_1 = arith.constant 0 : i32
    return %arg0, %arg1, %c0_i32, %c0_i32_0 : i32, i32, i32, i32
  }
  func.func @transform_2(%arg0: i32, %arg1: i32) -> (i32, i32) {
    %c0_i32 = arith.constant 0 : i32
    %c0_i32_0 = arith.constant 0 : i32
    %c0_i32_1 = arith.constant 0 : i32
    return %c0_i32, %c0_i32_0 : i32, i32
  }
  func.func @transform_3(%arg0: i32, %arg1: i32) -> (i32, i32) {
    %c0_i32 = arith.constant 0 : i32
    %c0_i32_0 = arith.constant 0 : i32
    %c0_i32_1 = arith.constant 0 : i32
    return %c0_i32, %c0_i32_0 : i32, i32
  }
  func.func @transform_4(%arg0: i32, %arg1: i32) -> (i32, i32, i32, i32) {
    %c0_i32 = arith.constant 0 : i32
    %c0_i32_0 = arith.constant 0 : i32
    %c0_i32_1 = arith.constant 0 : i32
    return %arg0, %arg1, %c0_i32, %c0_i32_0 : i32, i32, i32, i32
  }
}

</mosaic_0001>

<sc_bundles>
// kernel: kernel.4.cloned.1.call-start
scs
__scs_entry_jumppad:
0x0: {  	(pc) =	sbr.rel $0x88, $3  }
0x1: {  	(tag) =	ssettag $0x0;
	lr =	simm.s32 $0x1  }
0x2: {  	[smem:$0x3F97] =	sst lr;
	_ =	strace $0xD0000000  }
0x3: {  	_ = 	snop  }
0x4: {  	_ = 	snop  }
0x5: {  	_ = 	snop  }
0x6: {  	_ = 	snop  }
0x7: {  	_ = 	snop  }
__scs_overlays_trampoline_lowered:
0x8: {  	[smem:$0x3FA6] =	sst s0  }
0x9: {  	[smem:$0x3FA7] =	sst s1  }
0xa: {  	[smem:$0x3FA8] =	sst s2  }
0xb: {  	[smem:$0x3FA9] =	sst s3  }
0xc: {  	[smem:$0x3FAA] =	sst s4  }
0xd: {  	[smem:$0x3FAB] =	sst s5  }
0xe: {  	[smem:$0x3FAC] =	sst s6  }
0xf: {  	[smem:$0x3FAD] =	sst s7  }
0x10: {  	[smem:$0x3FAE] =	sst s8  }
0x11: {  	[smem:$0x3FAF] =	sst s9;
	s0 =	simm.s32 @!p0 $0x0  }
0x12: {  	s1 =	sld [smem:$0x3F95];
	s0 =	simm.s32 @p0 $0x1  }
0x13: {  	[smem:$0x3FB0] =	sst s0;
	s0 =	simm.s32 @!p1 $0x0  }
0x14: {  	s2 =	sld [smem:$0x3F94];
	s0 =	simm.s32 @p1 $0x1  }
0x15: {  	[smem:$0x3FB1] =	sst s0;
	s0 =	simm.s32 @!p2 $0x0  }
0x16: {  	s3 =	sld [smem:$0x3FDB];
	s0 =	simm.s32 @p2 $0x1  }
0x17: {  	s4 =	simm.s32 $0x1BF5;
	[smem:$0x3FB3] =	sst s0  }
0x18: {  	s0 =	sld [smem:$0x3F96];
	_ =	swait.ge [sflag:s4], $0x0  }
0x19: {  	s7 =	sld [smem:$0x3F97]  }
0x1a: {  	s8 =	sadd.s32 $0xFFFFE003, lr  }
0x1b: {  	s9 =	sadd.s32 $0xFFFFFEF7, lr;
	s5 =	simm.s32 $0xFFFFFFFF;
	p2 =	slt.u32 s8, $0xFFFFF086  }
0x1c: {  	p1 =	slt.u32 s9, $0xF7A;
	s5 =	simm.s32 @!p2 $0x0  }
0x1d: {  	s5 =	simm.s32 @p1 $0x1;
	p0 =	seq.s32 s7, s2  }
0x1e: {  	s7 =	smul.u32 @!p0 $0xF7A, s2;
	p2 =	seq.s32 @!p0 s5, $0x0  }
0x1f: {  	s9 =	smul.u32 $0xF7A, s1;
	s8 =	simm.s32 @!p0 $0x1BF5;
	p2 =	por !p2, p0  }
0x20: {  	[sflag:s8] =	ssyncset.s32 @!p0 $0xFFFFF086;
	s6 =	sadd.s32 @!p0 s3, s7;
	s7 =	simm.s32 @!p0 $0x108  }
0x21: {  	s3 =	sadd.s32 s3, s9;
	s6 =	sadd.s32 @!p0 $0x88, s6;
	s7 =	simm.s32 @p2 $0x1082  }
0x22: {  	[simem:s7], [sflag:s8] =	dma.local @!p0 [hbm:s6], $0xF7A  }
0x23: {  	s9 =	sor.u32 $0xD0000000, s2;
	s6 =	simm.s32 $0x108;
	_ =	swait.ge @!p0 [sflag:s8], $0x0  }
0x24: {  	s3 =	sadd.s32 $0x88, s3;
	s6 =	simm.s32 @!p1 $0x1082;
	[sflag:s4] =	ssyncset.s32 $0xFFFFF086  }
0x25: {  	[simem:s6], [sflag:s4] =	dma.local [hbm:s3], $0xF7A  }
0x26: {  	[smem:$0x3F97] =	sst s1;
	(tag) =	ssettag s2;
	_ =	strace s9  }
0x27: {  	s1 =	sld [smem:$0x3FA7]  }
0x28: {  	s2 =	sld [smem:$0x3FA8]  }
0x29: {  	s4 =	sld [smem:$0x3FAA]  }
0x2a: {  	p0 =	seq.s32 s5, $0x0;
	s5 =	sld [smem:$0x3FAB]  }
0x2b: {  	s6 =	sld [smem:$0x3FAC]  }
0x2c: {  	s7 =	sld [smem:$0x3FAD]  }
0x2d: {  	s3 =	simm.s32 $0x108;
	s8 =	sld [smem:$0x3FAE]  }
0x2e: {  	s3 =	simm.s32 @!p0 $0x1082;
	s9 =	sld [smem:$0x3FAF]  }
0x2f: {  	lr =	sadd.s32 s0, s3;
	s0 =	sld [smem:$0x3FA6]  }
0x30: {  	s3 =	sld [smem:$0x3FA9]  }
0x31: {  	[smem:$0x3FB2] =	sst s10  }
0x32: {  	s10 =	sld [smem:$0x3FB0];
	_ =	sdelay $0x3  }
0x33: {  	p0 =	seq.s32 s10, $0x1;
	s10 =	sld [smem:$0x3FB2];
	_ =	sdelay $0x3  }
0x34: {  	[smem:$0x3FB2] =	sst s10  }
0x35: {  	s10 =	sld [smem:$0x3FB1];
	_ =	sdelay $0x3  }
0x36: {  	p1 =	seq.s32 s10, $0x1;
	s10 =	sld [smem:$0x3FB2];
	_ =	sdelay $0x3  }
0x37: {  	[smem:$0x3FB2] =	sst s10  }
0x38: {  	s10 =	sld [smem:$0x3FB3]  }
0x39: {  	_ = 	snop;
	(pc) =	sbr.ind lr, $3  }
0x3a: {  	_ = 	snop  }
0x3b: {  	_ = 	snop  }
0x3c: {  	p2 =	seq.s32 s10, $0x1;
	s10 =	sld [smem:$0x3FB2]  }
0x3d: {  	_ =	shalt  }
0x3e: {  	_ =	shalt  }
0x3f: {  	_ =	shalt  }
0x40: {  	_ =	shalt  }
0x41: {  	_ =	shalt  }
0x42: {  	_ =	shalt  }
0x43: {  	_ =	shalt  }
0x44: {  	_ =	shalt  }
0x45: {  	_ =	shalt  }
0x46: {  	_ =	shalt  }
0x47: {  	_ =	shalt  }
0x48: {  	_ =	shalt  }
0x49: {  	_ =	shalt  }
0x4a: {  	_ =	shalt  }
0x4b: {  	_ =	shalt  }
0x4c: {  	_ =	shalt  }
0x4d: {  	_ =	shalt  }
0x4e: {  	_ =	shalt  }
0x4f: {  	_ =	shalt  }
0x50: {  	_ =	shalt  }
0x51: {  	_ =	shalt  }
0x52: {  	_ =	shalt  }
0x53: {  	_ =	shalt  }
0x54: {  	_ =	shalt  }
0x55: {  	_ =	shalt  }
0x56: {  	_ =	shalt  }
0x57: {  	_ =	shalt  }
0x58: {  	_ =	shalt  }
0x59: {  	_ =	shalt  }
0x5a: {  	_ =	shalt  }
0x5b: {  	_ =	shalt  }
0x5c: {  	_ =	shalt  }
0x5d: {  	_ =	shalt  }
0x5e: {  	_ =	shalt  }
0x5f: {  	_ =	shalt  }
0x60: {  	_ =	shalt  }
0x61: {  	_ =	shalt  }
0x62: {  	_ =	shalt  }
0x63: {  	_ =	shalt  }
0x64: {  	_ =	shalt  }
0x65: {  	_ =	shalt  }
0x66: {  	_ =	shalt  }
0x67: {  	_ =	shalt  }
0x68: {  	_ =	shalt  }
0x69: {  	_ =	shalt  }
0x6a: {  	_ =	shalt  }
0x6b: {  	_ =	shalt  }
0x6c: {  	_ =	shalt  }
0x6d: {  	_ =	shalt  }
0x6e: {  	_ =	shalt  }
0x6f: {  	_ =	shalt  }
0x70: {  	_ =	shalt  }
0x71: {  	_ =	shalt  }
0x72: {  	_ =	shalt  }
0x73: {  	_ =	shalt  }
0x74: {  	_ =	shalt  }
0x75: {  	_ =	shalt  }
0x76: {  	_ =	shalt  }
0x77: {  	_ =	shalt  }
0x78: {  	_ =	shalt  }
0x79: {  	_ =	shalt  }
0x7a: {  	_ =	shalt  }
0x7b: {  	_ =	shalt  }
0x7c: {  	_ =	shalt  }
0x7d: {  	_ =	shalt  }
0x7e: {  	_ =	shalt  }
0x7f: {  	_ =	shalt  }
0x80: {  	_ =	shalt  }
0x81: {  	_ =	shalt  }
0x82: {  	_ =	shalt  }
0x83: {  	_ =	shalt  }
0x84: {  	_ =	shalt  }
0x85: {  	_ =	shalt  }
0x86: {  	_ =	shalt  }
0x87: {  	_ =	shalt  }
.Lfunc_end0:
.L_simem_size_0:
called_computation_lowered:
.L_overlay_start_0:
0x88: {  	s2 =	sld [smem:$0x3FD9]  }
0x89: {  	s3 =	sld [smem:$0x3FFE];
	_ =	sdelay $0x1  }
0x8a: {  	s1 =	srdreg.scid  }
0x8b: {  	s0 =	sand.u32 $0x1, s1  }
0x8c: {  	s16 =	sshll.u32 s0, $0xA;
	s2 =	sadd.s32 s3, s2  }
0x8d: {  	s2 =	sadd.s32 s2, s16  }
0x8e: {  	[smem:$0x3FBE] =	sst s2  }
0x8f: {  	_ = 	snop  }
0x90: {  	(tm) =	ssettm $0x1  }
0x91: {  	s17 =	sld [smem:$0x3FFB];
	_ =	sdelay $0x3  }
0x92: {  	_ =	strace s17  }
0x93: {  	s2 =	sld [smem:$0x3FFC];
	_ =	sdelay $0x3  }
0x94: {  	_ =	strace s2  }
0x95: {  	s2 =	sld [smem:$0x3FFD];
	_ =	sdelay $0x3  }
0x96: {  	_ =	strace s2  }
0x97: {  	_ =	strace $0x8FFFFFFF  }
0x98: {  	s18 =	sld [smem:$0x3FDB];
	_ =	sdelay $0x1  }
0x99: {  	s19 =	simm.s32 $_scs_section_size  }
0x9a: {  	s4 =	simm.s32 $_size__tile_overlayer_lowered;
	s5 =	simm.s32 $_tile_overlayer_lowered  }
0x9b: {  	s22 =	simm.s32 $0x1BFF;
	s21 =	sshll.u32 s5, $0x1;
	s2 =	sadd.s32 s19, s18  }
0x9c: {  	s6 =	simm.s32 $0x0;
	s20 =	sshll.u32 s4, $0x1;
	s4 =	sadd.s32 s21, s2  }
0x9d: {  	[timem:s6], [sflag:s22] =	dma.local [hbm:s4], s20  }
0x9e: {  	_ =	swait.ge [sflag:s22], s20  }
0x9f: {  	s3 =	ssub.s32 $0x0, s20;
	[sflag:s22] =	ssyncset.done $0x0  }
0xa0: {  	[sflag:s22] =	ssyncadd.s32 s3;
	_ =	sdelay $0x1  }
0xa1: {  	s23 =	simm.s32 $0x1B8B  }
0xa2: {  	_ =	swait.ge [sflag:s23], $0x1  }
0xa3: {  	[sflag:s23] =	ssyncset.done $0x0  }
0xa4: {  	s25 =	simm.s32 $0x1B8E;
	s24 =	sld [smem:$0x3FFE];
	[sflag:s23] =	ssyncadd.s32 $0xFFFFFFFF  }
0xa5: {  	s26 =	simm.s32 $execute0_lowered;
	[smem:$0x3FD2] =	sst s25  }
0xa6: {  	s4 =	sshll.u32 s26, $0x1;
	_ =	strace $0x80000046;
	[dreg:$0x1] =	wrdreg $0xFFFFFFFF  }
0xa7: {  	s28 =	simm.s32 $_size_execute0_lowered;
	s2 =	sadd.s32 s2, s4;
	[dreg:$0x0] =	wrdreg $0x0  }
0xa8: {  	s4 =	sshll.u32 s28, $0x1;
	[dreg:$0x2] =	wrdreg s2  }
0xa9: {  	[dreg:$0x3] =	wrdreg s4  }
0xaa: {  	[dreg:$0x4] =	wrdreg $0xC0  }
0xab: {  	_ =	task [dreg:s6], $0x5FFFF  }
0xac: {  	[dreg:$0x1] =	wrdreg $0xFFFFFFFF  }
0xad: {  	[dreg:$0x0] =	wrdreg $0x60  }
0xae: {  	[dreg:$0x2] =	wrdreg s24  }
0xaf: {  	[dreg:$0x3] =	wrdreg $0x88800  }
0xb0: {  	[dreg:$0x4] =	wrdreg $0x9  }
0xb1: {  	_ =	task.clear_ibuf [dreg:s6], $0x5FFFF;
	_ =	strace $0x90000046  }
0xb2: {  	s29 =	simm.s32 $0x9;
	_ =	strace $0x80000048  }
0xb3: {  	_ =	swait.ge [sflag:s29], $0x1  }
0xb4: {  	[sflag:s29] =	ssyncadd.s32 $0xFFFFFFFF  }
0xb5: {  	_ =	strace $0x90000048  }
0xb6: {  	_ =	sfence  }
0xb7: {  	s30 =	sld [smem:$0x0];
	_ =	sdelay $0x2  }
0xb8: {  	s31 =	sshll.u32 s1, $0xD;
	s1 =	sshrl.u32 s1, $0x2  }
0xb9: {  	s3 =	sand.u32 $0x4000, s31;
	s1 =	sadd.s32 s1, s30  }
0xba: {  	s0 =	sor.u32 s3, s0;
	s1 =	sshll.u32 s1, $0x11  }
0xbb: {  	s0 =	sor.u32 s1, s0  }
0xbc: {  	s0 =	sadd.s32 $0x8F2B, s0  }
0xbd: {  	[sflag:s0] =	ssyncadd.remote.s32 $0x1  }
0xbe: {  	_ =	sfence.sel $0xFFFF  }
0xbf: {  	[dreg:$0x0] =	wrdreg $0xFFFFFFFF;
	(pc) =	sbr.abs _section_cstart, $3  }
0xc0: {  	[dreg:$0x1] =	wrdreg $0xFFFFFFFF  }
0xc1: {  	_ =	task.clear_ibuf [dreg:s6], $0x2FFFF;
	_ =	strace $0x9FFFFFFF  }
0xc2: {  	(tm) =	ssettm $0x7FFFFFFF  }
0xc3: {  	_ =	shalt  }
tec
execute0_lowered:
.L_overlay_start_1:
0x0: {  	(tag) =	ssettag $0x1  }
0x1: {  	s5 =	rddreg [dreg:$0x0]  }
0x2: {  	s1 =	rddreg [dreg:$0x1]  }
0x3: {  	s0 =	rddreg [dreg:$0x2];
	s3 =	simm.s32 $0x0;
	s2 =	stileid.u32  }
0x4: {  	s6 =	srdreg.scid;
	s12 =	simm.s32 $0x1;
	s13 =	simm.s32 $0x480  }
0x5: {  	s14 =	simm.s32 $0x4880;
	s15 =	simm.s32 $0x800;
	s16 =	simm.s32 $0x2  }
0x6: {  	s17 =	simm.s32 $0x500;
	[smem:$0x7FF] =	sst s3;
	s4 =	sadd.s32 $0x21600, s5  }
0x7: {  	s6 =	sand.u32 $0x1, s6;
	s7 =	sshll.u32 s2, $0x1;
	s8 =	sshll.u32 s2, $0xD  }
0x8: {  	v7 =	vlaneseq.u32;
	s10 =	sshll.u32 s2, $0x11;
	s19 =	sshll.u32 s2, $0x7;
	s29 =	sshll.u32 s2, $0xE  }
0x9: {  	v1 =	vor.u32 $0x10, v7;
	v2 =	vor.u32 $0x20, v7;
	v3 =	vor.u32 $0x30, v7;
	s31 =	sshll.u32 s2, $0x6;
	_ =	strace $0x80000047;
	s9 =	ssub.s32 $0x2, s6  }
0xa: {  	v4 =	vor.u32 $0x40, v7;
	v5 =	vor.u32 $0x50, v7;
	v6 =	vor.u32 $0x60, v7;
	s7 =	sor.u32 s6, s7;
	s25 =	sadd.s32 s8, s5;
	s26 =	sadd.s32 s10, s5  }
0xb: {  	s24 =	sadd.s32 s29, s1;
	s30 =	sshll.u32 s6, $0x10;
	s6 =	sshll.u32 s6, $0xC;
	v0 =	vor.u32 s19, v7;
	v1 =	vor.u32 s19, v1;
	v2 =	vor.u32 s19, v2  }
0xc: {  	v3 =	vor.u32 s19, v3;
	s10 =	simm.s32 $0x400;
	v4 =	vor.u32 s19, v4;
	v7 =	vor.u32 $0x70, v7;
	s11 =	sshrl.u32 s9, $0x1;
	s18 =	smul.u32 $0xF8, s7  }
0xd: {  	v5 =	vor.u32 s19, v5;
	v6 =	vor.u32 s19, v6;
	s8 =	sadd.s32 s30, s26;
	s7 =	sadd.s32 s6, s25;
	v7 =	vor.u32 s19, v7;
	s19 =	simm.s32 $0x600  }
0xe: {  	s28 =	ssub.s32 s9, s11;
	s6 =	sadd.s32 $0x40600, s8;
	s7 =	sadd.s32 $0x1600, s7  }
0xf: {  	s8 =	simm.s32 $0x3;
	s9 =	simm.s32 $0x80;
	s11 =	simm.s32 $0x880  }
0x10: {  	s20 =	sadd.s32 $0x20, s18;
	s21 =	sadd.s32 $0x30, s18;
	s22 =	sadd.s32 $0x38, s18  }
0x11: {  	s23 =	sadd.s32 $0x78, s18;
	s5 =	smax.u32 s28, $0x1;
	v8 =	vmov s18;
	s18 =	simm.s32 $0x580;
	v9 =	vmov s20  }
0x12: {  	v10 =	vmov s21;
	v11 =	vmov s22;
	v12 =	vmov s23;
	s20 =	sor.u32 $0x1C03, s31;
	s21 =	sshrl.u32 s24, $0x3;
	s22 =	simm.s32 $0x0  }
.LBB2_1:
0x13: {  	[tilespmem:$0x800] =	vst v0  }
0x14: {  	[tilespmem:$0x810] =	vst v1  }
0x15: {  	[tilespmem:$0x820] =	vst v2  }
0x16: {  	[tilespmem:$0x830] =	vst v3  }
0x17: {  	[tilespmem:$0x840] =	vst v4  }
0x18: {  	[tilespmem:$0x850] =	vst v5  }
0x19: {  	[tilespmem:$0x860] =	vst v6  }
0x1a: {  	[tilespmem:$0x870] =	vst v7;
	s23 =	smov.u32 s6;
	s24 =	simm.s32 $0x0  }
.LBB2_2:
0x1b: {  	s25 =	sadd.s32 s24, s7  }
0x1c: {  	[tilespmem:s3], [sflag:$0x3] =	stream.linear.gather [hbm4b:s25+s3], $0x280, $0x38;
	[tilespmem:$0xC880] =	vst v63  }
0x1d: {  	_ =	swait.ge [sflag:s8], $0x280  }
0x1e: {  	[sflag:s8] =	ssyncset.done $0x0  }
0x1f: {  	[sflag:s8] =	ssyncadd.s32 $0xFFFFFD80  }
0x20: {  	v13 =	vld [tilespmem:$0x0]  }
0x21: {  	v14 =	vld [tilespmem:$0x10]  }
0x22: {  	v15 =	vld [tilespmem:$0x20]  }
0x23: {  	v16 =	vld [tilespmem:$0x30]  }
0x24: {  	v17 =	vld [tilespmem:$0x40]  }
0x25: {  	v18 =	vld [tilespmem:$0x50];
	v13 =	vadd.s32 v8, v13  }
0x26: {  	[tilespmem:$0x400] =	vst v13;
	v13 =	vadd.s32 v8, v14;
	v14 =	vld [tilespmem:$0x60]  }
0x27: {  	[tilespmem:$0x410] =	vst v13;
	v13 =	vadd.s32 v8, v15;
	v15 =	vld [tilespmem:$0x70]  }
0x28: {  	v44 =	vld [tilespmem:$0x80];
	[tilespmem:$0x420] =	vst v13;
	v13 =	vadd.s32 v8, v16  }
0x29: {  	v45 =	vld [tilespmem:$0x90];
	[tilespmem:$0x430] =	vst v13;
	v13 =	vadd.s32 v8, v17  }
0x2a: {  	v46 =	vld [tilespmem:$0xA0];
	[tilespmem:$0x440] =	vst v13;
	v13 =	vadd.s32 v8, v18  }
0x2b: {  	[tilespmem:$0x450] =	vst v13;
	v13 =	vadd.s32 v8, v14;
	v14 =	vld [tilespmem:$0xB0]  }
0x2c: {  	[tilespmem:$0x460] =	vst v13;
	v13 =	vadd.s32 v8, v15;
	v15 =	vld [tilespmem:$0xC0]  }
0x2d: {  	v47 =	vld [tilespmem:$0xD0];
	[tilespmem:$0x470] =	vst v13;
	v13 =	vadd.s32 v9, v44  }
0x2e: {  	v48 =	vld [tilespmem:$0xE0];
	[tilespmem:$0x480] =	vst v13;
	v13 =	vadd.s32 v9, v45  }
0x2f: {  	v49 =	vld [tilespmem:$0xF0];
	[tilespmem:$0x490] =	vst v13;
	v13 =	vadd.s32 v9, v46  }
0x30: {  	[tilespmem:$0x4A0] =	vst v13;
	v13 =	vadd.s32 v9, v14;
	v14 =	vld [tilespmem:$0x100]  }
0x31: {  	[tilespmem:$0x4B0] =	vst v13;
	v13 =	vadd.s32 v9, v15;
	v15 =	vld [tilespmem:$0x110]  }
0x32: {  	v50 =	vld [tilespmem:$0x120];
	[tilespmem:$0x4C0] =	vst v13;
	v13 =	vadd.s32 v9, v47  }
0x33: {  	v51 =	vld [tilespmem:$0x130];
	[tilespmem:$0x4D0] =	vst v13;
	v13 =	vadd.s32 v9, v48  }
0x34: {  	v52 =	vld [tilespmem:$0x140];
	[tilespmem:$0x4E0] =	vst v13;
	v13 =	vadd.s32 v9, v49  }
0x35: {  	[tilespmem:$0x4F0] =	vst v13;
	v13 =	vadd.s32 v10, v14;
	v14 =	vld [tilespmem:$0x150]  }
0x36: {  	[tilespmem:$0x500] =	vst v13;
	v13 =	vadd.s32 v10, v15;
	v15 =	vld [tilespmem:$0x160]  }
0x37: {  	v53 =	vld [tilespmem:$0x170];
	[tilespmem:$0x510] =	vst v13;
	v13 =	vadd.s32 v10, v50  }
0x38: {  	v54 =	vld [tilespmem:$0x180];
	[tilespmem:$0x520] =	vst v13;
	v13 =	vadd.s32 v10, v51  }
0x39: {  	v55 =	vld [tilespmem:$0x190];
	[tilespmem:$0x530] =	vst v13;
	v13 =	vadd.s32 v10, v52  }
0x3a: {  	[tilespmem:$0x540] =	vst v13;
	v13 =	vadd.s32 v10, v14;
	v14 =	vld [tilespmem:$0x1A0]  }
0x3b: {  	[tilespmem:$0x550] =	vst v13;
	v13 =	vadd.s32 v10, v15;
	v15 =	vld [tilespmem:$0x1B0]  }
0x3c: {  	v56 =	vld [tilespmem:$0x1C0];
	[tilespmem:$0x560] =	vst v13;
	v13 =	vadd.s32 v10, v53  }
0x3d: {  	v57 =	vld [tilespmem:$0x1D0];
	[tilespmem:$0x570] =	vst v13;
	v13 =	vadd.s32 v11, v54  }
0x3e: {  	v58 =	vld [tilespmem:$0x1E0];
	[tilespmem:$0x580] =	vst v13;
	v13 =	vadd.s32 v11, v55  }
0x3f: {  	[tilespmem:$0x590] =	vst v13;
	v13 =	vadd.s32 v11, v14;
	v14 =	vld [tilespmem:$0x1F0]  }
0x40: {  	[tilespmem:$0x5A0] =	vst v13;
	v13 =	vadd.s32 v11, v15;
	v15 =	vld [tilespmem:$0x200]  }
0x41: {  	v59 =	vld [tilespmem:$0x210];
	[tilespmem:$0x5B0] =	vst v13;
	v13 =	vadd.s32 v11, v56  }
0x42: {  	v60 =	vld [tilespmem:$0x220];
	[tilespmem:$0x5C0] =	vst v13;
	v13 =	vadd.s32 v11, v57  }
0x43: {  	v61 =	vld [tilespmem:$0x230];
	[tilespmem:$0x5D0] =	vst v13;
	v13 =	vadd.s32 v11, v58  }
0x44: {  	[tilespmem:$0x5E0] =	vst v13;
	v13 =	vadd.s32 v11, v14;
	v14 =	vld [tilespmem:$0x240]  }
0x45: {  	[tilespmem:$0x5F0] =	vst v13;
	v13 =	vadd.s32 v12, v15;
	v15 =	vld [tilespmem:$0x250]  }
0x46: {  	v62 =	vld [tilespmem:$0x260];
	[tilespmem:$0x600] =	vst v13;
	v13 =	vadd.s32 v12, v59  }
0x47: {  	v63 =	vld [tilespmem:$0x270];
	[tilespmem:$0x610] =	vst v13;
	v13 =	vadd.s32 v12, v60  }
0x48: {  	[tilespmem:$0x620] =	vst v13;
	v13 =	vadd.s32 v12, v61  }
0x49: {  	[tilespmem:$0x630] =	vst v13;
	v13 =	vadd.s32 v12, v14  }
0x4a: {  	[tilespmem:$0x640] =	vst v13;
	v13 =	vadd.s32 v12, v15  }
0x4b: {  	[tilespmem:$0x650] =	vst v13;
	v13 =	vadd.s32 v12, v62  }
0x4c: {  	[tilespmem:$0x660] =	vst v13;
	v13 =	vadd.s32 v12, v63  }
0x4d: {  	[tilespmem:$0x670] =	vst v13  }
0x4e: {  	[tilespmem:s11], [sflag:$0x1] =	stream.indirect.gather [hbm4b:s4+s9], $0x80, s10, s9, $0xb8;
	[tilespmem:$0xC880] =	vst v63  }
0x4f: {  	_ =	swait.ge [sflag:s12], $0x4000  }
0x50: {  	[sflag:s12] =	ssyncset.done $0x0  }
0x51: {  	[sflag:s12] =	ssyncadd.s32 $0xFFFFC000  }
0x52: {  	[tilespmem:s14], [sflag:$0x1] =	stream.indirect.gather [hbm4b:s4+s9], $0x80, s13, s9, $0xb8;
	[tilespmem:$0xC880] =	vst v63  }
0x53: {  	_ = 	snop  }
0x54: {  	[spmem:s1] =	stream.indirect.scatter [tilespmem:s11], [sflag:$0x2], $0x80, s15, s9, $0xb8;
	[tilespmem:$0xC880] =	vst v63  }
0x55: {  	_ =	swait.ge [sflag:s16], $0x4000  }
0x56: {  	[sflag:s16] =	ssyncset.done $0x0  }
0x57: {  	[sflag:s16] =	ssyncadd.s32 $0xFFFFC000  }
0x58: {  	_ =	swait.ge [sflag:s12], $0x4000  }
0x59: {  	[sflag:s12] =	ssyncset.done $0x0  }
0x5a: {  	[sflag:s12] =	ssyncadd.s32 $0xFFFFC000  }
0x5b: {  	[tilespmem:s11], [sflag:$0x1] =	stream.indirect.gather [hbm4b:s4+s9], $0x80, s17, s9, $0xb8;
	[tilespmem:$0xC880] =	vst v63  }
0x5c: {  	_ = 	snop  }
0x5d: {  	[spmem:s1] =	stream.indirect.scatter.add.f32 [tilespmem:s14], [sflag:$0x2], $0x80, s15, s9, $0xb8;
	[tilespmem:$0xC880] =	vst v63  }
0x5e: {  	_ =	swait.ge [sflag:s16], $0x4000  }
0x5f: {  	[sflag:s16] =	ssyncset.done $0x0  }
0x60: {  	[sflag:s16] =	ssyncadd.s32 $0xFFFFC000  }
0x61: {  	_ =	swait.ge [sflag:s12], $0x4000  }
0x62: {  	[sflag:s12] =	ssyncset.done $0x0  }
0x63: {  	[sflag:s12] =	ssyncadd.s32 $0xFFFFC000  }
0x64: {  	[tilespmem:s14], [sflag:$0x1] =	stream.indirect.gather [hbm4b:s4+s9], $0x80, s18, s9, $0xb8;
	[tilespmem:$0xC880] =	vst v63  }
0x65: {  	_ = 	snop  }
0x66: {  	[spmem:s1] =	stream.indirect.scatter.add.f32 [tilespmem:s11], [sflag:$0x2], $0x80, s15, s9, $0xb8;
	[tilespmem:$0xC880] =	vst v63  }
0x67: {  	_ =	swait.ge [sflag:s16], $0x4000  }
0x68: {  	[sflag:s16] =	ssyncset.done $0x0  }
0x69: {  	[sflag:s16] =	ssyncadd.s32 $0xFFFFC000  }
0x6a: {  	_ =	swait.ge [sflag:s12], $0x4000  }
0x6b: {  	[sflag:s12] =	ssyncset.done $0x0  }
0x6c: {  	[sflag:s12] =	ssyncadd.s32 $0xFFFFC000  }
0x6d: {  	[tilespmem:s11], [sflag:$0x1] =	stream.indirect.gather [hbm4b:s4+s9], $0x80, s19, s9, $0xb8;
	[tilespmem:$0xC880] =	vst v63  }
0x6e: {  	_ = 	snop  }
0x6f: {  	[spmem:s1] =	stream.indirect.scatter.add.f32 [tilespmem:s14], [sflag:$0x2], $0x80, s15, s9, $0xb8;
	[tilespmem:$0xC880] =	vst v63  }
0x70: {  	_ =	swait.ge [sflag:s16], $0x4000  }
0x71: {  	[sflag:s16] =	ssyncset.done $0x0  }
0x72: {  	[sflag:s16] =	ssyncadd.s32 $0xFFFFC000  }
0x73: {  	_ =	swait.ge [sflag:s12], $0x4000  }
0x74: {  	[sflag:s12] =	ssyncset.done $0x0  }
0x75: {  	[sflag:s12] =	ssyncadd.s32 $0xFFFFC000  }
0x76: {  	[spmem:s1] =	stream.indirect.scatter.add.f32 [tilespmem:s11], [sflag:$0x2], $0x80, s15, s9, $0xb8;
	[tilespmem:$0xC880] =	vst v63  }
0x77: {  	_ =	swait.ge [sflag:s16], $0x4000  }
0x78: {  	p0 =	sne.s32 s24, $0xF80;
	[sflag:s16] =	ssyncset.done $0x0  }
.Ltmp0:
0x79: {  	[sflag:s16] =	ssyncadd.s32 $0xFFFFC000;
	(pc) =	sbr.rel @p0 .LBB2_2-.Ltmp0, $4  }
0x7a: {  	[hbm:s23], [sflag:s20] =	dma.local [spmem:s21], $0x800  }
0x7b: {  	_ =	swait.ge [sflag:s8], $0x800  }
0x7c: {  	[sflag:s8] =	ssyncset.done $0x0  }
0x7d: {  	s24 =	sadd.s32 $0x80, s24;
	s23 =	sadd.s32 $0x800, s23;
	[sflag:s8] =	ssyncadd.s32 $0xFFFFF800  }
0x7e: {  	s22 =	sadd.s32 $0x1, s22  }
0x7f: {  	p0 =	sne.s32 s22, s5  }
.Ltmp1:
0x80: {  	_ = 	snop;
	(pc) =	sbr.rel @p0 .LBB2_1-.Ltmp1, $1  }
0x81: {  	_ =	sdelay $0x3  }
0x82: {  	_ =	sfence.sel $0x180000  }
0x83: {  	[bflag:$0x0] =	sbarrier.arrive $0xFFFF  }
0x84: {  	p0 =	sne.s32 s2, $0x0;
	_ =	strace $0x90000047  }
0x85: {  	s0 =	sadd.s32 @!p0 $0x100000, s0;
	[bflag:$0x2] =	sbarrier.arrive $0xFFFF  }
0x86: {  	[sflag:s0] =	ssyncadd.tile.s32 @!p0 $0x1;
	_ =	shalt  }
.Lfunc_end2:
_tile_overlayer_lowered:
.L_overlay_start_2:
0x87: {  	(tag) =	ssettag $0x2  }
0x88: {  	s0 =	rddreg [dreg:$0x0];
	s2 =	stileid.u32  }
0x89: {  	s1 =	rddreg [dreg:$0x1];
	p0 =	sne.s32 s2, $0x0  }
0x8a: {  	s3 =	rddreg [dreg:$0x2];
	[bflag:$0x3] =	sbarrier.arrive $0xFFFF;
	s2 =	simm.s32 @!p0 $0x1C03  }
0x8b: {  	[timem:s3], [sflag:s2] =	dma.local @!p0 [hbm:s0], s1  }
0x8c: {  	s0 =	simm.s32 @!p0 $0x3  }
0x8d: {  	_ =	swait.ge @!p0 [sflag:s0], s1  }
0x8e: {  	s1 =	ssub.s32 @!p0 $0x0, s1;
	[sflag:s0] =	ssyncset.done @!p0 $0x0  }
0x8f: {  	[sflag:s0] =	ssyncadd.s32 @!p0 s1  }
0x90: {  	[bflag:$0x3] =	sbarrier.arrive $0xFFFF  }
0x91: {  	_ =	shalt  }

</sc_bundles>
